<compile_context>
chip_gen: v7x
topology: tpu7x:2x2x1
jax: 0.10.2.dev20260603
libtpu: 0.0.44.dev20260713+nightly
codegen_flags: <defaults>
</compile_context>

<pallas_src>
import functools

import jax
import jax.numpy as jnp
from jax import lax
from jax.experimental import pallas as pl
from jax.experimental.pallas import tpu as pltpu
from jax.experimental.pallas import tpu_sc as plsc

_B = 128
_N = 32768
_L = 16
_NVEC = _N // _L
_NW = 32
_ROWS_PER_W = _B // _NW
_BISECT_ITERS = 16
_UNROLL = 8


def _row_sparsemax(row_v, cand_v):

    @plsc.parallel_loop(
        0, _NVEC, unroll=_UNROLL, carry=jnp.full((_L,), -3e38, jnp.float32)
    )
    def maxp(i, m_run):
        return jnp.maximum(m_run, row_v[pl.ds(i * _L, _L)])

    m = jnp.max(maxp)
    thr = jnp.full((_L,), m - 1.0)

    @plsc.parallel_loop(
        0, _NVEC, unroll=_UNROLL, carry=jnp.zeros((_L,), jnp.int32)
    )
    def filt(i, w):
        v = row_v[pl.ds(i * _L, _L)]
        mask = v > thr
        plsc.store_compressed(cand_v.at[pl.ds(w[0], _L)], v, mask=mask)
        return w + plsc.all_reduce_population_count(mask)

    w = filt[0]
    iota = lax.iota(jnp.int32, _L)
    plsc.store_scatter(cand_v, [w + iota], jnp.full((_L,), m - 2.0))
    nvec = w // _L + 1

    def bisect(_, carry):
        lo, hi = carry
        t = 0.5 * (lo + hi)

        def acc_fn(j, acc):
            v = cand_v[pl.ds(j * _L, _L)]
            return acc + jnp.maximum(v - t, 0.0)

        acc = lax.fori_loop(0, nvec, acc_fn, jnp.zeros((_L,), jnp.float32))
        s = jnp.sum(acc)
        ge = s >= 1.0
        return jnp.where(ge, t, lo), jnp.where(ge, hi, t)

    lo, _ = lax.fori_loop(0, _BISECT_ITERS, bisect, (m - 1.0, m))

    def ks_fn(j, carry):
        ak, asum = carry
        v = cand_v[pl.ds(j * _L, _L)]
        above = v > lo
        ak = ak + above.astype(jnp.float32)
        asum = asum + jnp.where(above, v, 0.0)
        return ak, asum

    ak, asum = lax.fori_loop(
        0, nvec, ks_fn,
        (jnp.zeros((_L,), jnp.float32), jnp.zeros((_L,), jnp.float32)),
    )
    tau = (jnp.full((_L,), jnp.sum(asum)) - 1.0) / jnp.full((_L,), jnp.sum(ak))

    @plsc.parallel_loop(0, _NVEC, unroll=_UNROLL)
    def out_loop(i):
        v = row_v[pl.ds(i * _L, _L)]
        row_v[pl.ds(i * _L, _L)] = jnp.maximum(v - tau, 0.0)


def kernel(inputs):
    mesh = plsc.VectorSubcoreMesh(core_axis_name="c", subcore_axis_name="s")

    @functools.partial(
        pl.kernel,
        mesh=mesh,
        out_type=jax.ShapeDtypeStruct((_B, _N), jnp.float32),
        scratch_types=[
            pltpu.VMEM((_N,), jnp.float32),
            pltpu.VMEM((_N,), jnp.float32),
            pltpu.VMEM((_N + _L,), jnp.float32),
            pltpu.SemaphoreType.DMA,
            pltpu.SemaphoreType.DMA,
            pltpu.SemaphoreType.DMA,
            pltpu.SemaphoreType.DMA,
        ],
        compiler_params=pltpu.CompilerParams(needs_layout_passes=False),
    )
    def run(x_hbm, out_hbm, row_a, row_b, cand_v, si_a, si_b, so_a, so_b):
        wid = lax.axis_index("s") * 2 + lax.axis_index("c")
        base = wid * _ROWS_PER_W
        bufs = (row_a, row_b)
        sin = (si_a, si_b)
        sout = (so_a, so_b)

        def cp_in(r, b):
            return pltpu.make_async_copy(x_hbm.at[base + r], bufs[b], sin[b])

        def cp_out(r, b):
            return pltpu.make_async_copy(bufs[b], out_hbm.at[base + r], sout[b])

        cp_in(0, 0).start()
        cp_in(1, 1).start()
        for r in range(_ROWS_PER_W):
            b = r % 2
            cp_in(r, b).wait()
            if r >= 1 and r + 1 < _ROWS_PER_W:
                cp_out(r - 1, 1 - b).wait()
                cp_in(r + 1, 1 - b).start()
            _row_sparsemax(bufs[b], cand_v)
            cp_out(r, b).start()
        cp_out(_ROWS_PER_W - 2, _ROWS_PER_W % 2).wait()
        cp_out(_ROWS_PER_W - 1, 1 - _ROWS_PER_W % 2).wait()

    return run(inputs)

# --- scband reference (transcript-rebuilt; emitter-appended) ---
"""Pipeline reference for scband-sparsegen-lin-37572373906048 (READ-ONLY COPY).

The authoritative reference and input builder live on the scoring server;
editing this copy changes nothing except your own understanding.
"""

import jax, jax.numpy as jnp
import numpy as np

LAM = 0.0

def setup_inputs(seed: int = 0) -> dict:
    key = jax.random.key(seed)
    inputs = jax.random.normal(key, (128, 32768), dtype=jnp.float32)
    return {"inputs": inputs}

def reference(inputs):
    lam = LAM
    dim = -1
    # inputs.transpose(0, dim)
    x = jnp.swapaxes(inputs, 0, dim)
    original_size = x.shape
    x = x.reshape(x.shape[0], -1)
    x = x.T  # [batch_like, n_logits]
    n = x.shape[1]
    x = x - jnp.max(x, axis=1, keepdims=True)
    # descending sort
    zs = -jnp.sort(-x, axis=1)
    ks = jnp.arange(1, n + 1, dtype=x.dtype)[None, :]
    bound = 1.0 - lam + ks * zs
    cumulative_sum_zs = jnp.cumsum(zs, axis=1)
    is_gt = (bound > cumulative_sum_zs).astype(x.dtype)
    k = jnp.max(is_gt * ks, axis=1, keepdims=True)
    zs_sparse = is_gt * zs
    taus = (jnp.sum(zs_sparse, axis=1, keepdims=True) - 1.0 + lam) / k
    ps = (x - taus) / (1.0 - lam)
    output = jnp.maximum(jnp.zeros_like(x), ps)
    output = output.T
    output = output.reshape(original_size)
    output = jnp.swapaxes(output, 0, dim)
    return output

if __name__ == "__main__":
    import jax
    _d = setup_inputs()
    print(jax.jit(kernel)(*tuple(_d.values())))

</pallas_src>

<mosaic_0001>
#map = affine_map<(d0, d1) -> (0, 0)>
module attributes {stable_mosaic.version = 14 : i64} {
  func.func @run(%arg0: i32, %arg1: i32, %arg2: memref<128x32768xf32, #tpu.memory_space<hbm>>, %arg3: memref<128x32768xf32, #tpu.memory_space<hbm>>, %arg4: memref<32768xf32, #tpu.memory_space<vmem>>, %arg5: memref<32768xf32, #tpu.memory_space<vmem>>, %arg6: memref<32784xf32, #tpu.memory_space<vmem>>, %arg7: memref<!tpu.dma_semaphore, #tpu.memory_space<semaphore_mem>>, %arg8: memref<!tpu.dma_semaphore, #tpu.memory_space<semaphore_mem>>, %arg9: memref<!tpu.dma_semaphore, #tpu.memory_space<semaphore_mem>>, %arg10: memref<!tpu.dma_semaphore, #tpu.memory_space<semaphore_mem>>) attributes {dimension_semantics = [#tpu.dimension_semantics<core_parallel>, #tpu.dimension_semantics<subcore_parallel>], iteration_bounds = array<i64: 2, 16>, scalar_prefetch = 0 : i64, scratch_operands = 7 : i64, tpu.core_type = #tpu.core_type<sc_vector_subcore>, window_params = [{transform_indices = #map}, {transform_indices = #map}]} {
    %mul3A = arith.constant 2 : i32
    %mul3A_0 = arith.muli %arg1, %mul3A : i32
    %add3A = arith.addi %mul3A_0, %arg0 : i32
    %mul3A_1 = arith.constant 4 : i32
    %mul3A_2 = arith.muli %add3A, %mul3A_1 : i32
    %add3A_3 = arith.constant 0 : i32
    %add3A_4 = arith.addi %mul3A_2, %add3A_3 : i32
    %dma_start3A = arith.constant 0 : i32
    %dma_start3A_5 = tpu.memref_slice %arg2[%add3A_4, %dma_start3A] : memref<128x32768xf32, #tpu.memory_space<hbm>> -> memref<1x32768xf32, #tpu.memory_space<hbm>>
    %dma_start3A_6 = tpu.memref_squeeze %dma_start3A_5 : memref<1x32768xf32, #tpu.memory_space<hbm>> -> memref<32768xf32, #tpu.memory_space<hbm>>
    %dma_start3A_7 = arith.constant 0 : i32
    %dma_start3A_8 = tpu.memref_slice %arg2[%add3A_4, %dma_start3A_7] : memref<128x32768xf32, #tpu.memory_space<hbm>> -> memref<1x32768xf32, #tpu.memory_space<hbm>>
    %dma_start3A_9 = tpu.memref_squeeze %dma_start3A_8 : memref<1x32768xf32, #tpu.memory_space<hbm>> -> memref<32768xf32, #tpu.memory_space<hbm>>
    tpu.enqueue_dma source(%dma_start3A_9 : memref<32768xf32, #tpu.memory_space<hbm>>) target(%arg4 : memref<32768xf32, #tpu.memory_space<vmem>>) target_semaphore(%arg7 : memref<!tpu.dma_semaphore, #tpu.memory_space<semaphore_mem>>)
    %add3A_10 = arith.constant 1 : i32
    %add3A_11 = arith.addi %mul3A_2, %add3A_10 : i32
    %dma_start3A_12 = arith.constant 0 : i32
    %dma_start3A_13 = tpu.memref_slice %arg2[%add3A_11, %dma_start3A_12] : memref<128x32768xf32, #tpu.memory_space<hbm>> -> memref<1x32768xf32, #tpu.memory_space<hbm>>
    %dma_start3A_14 = tpu.memref_squeeze %dma_start3A_13 : memref<1x32768xf32, #tpu.memory_space<hbm>> -> memref<32768xf32, #tpu.memory_space<hbm>>
    %dma_start3A_15 = arith.constant 0 : i32
    %dma_start3A_16 = tpu.memref_slice %arg2[%add3A_11, %dma_start3A_15] : memref<128x32768xf32, #tpu.memory_space<hbm>> -> memref<1x32768xf32, #tpu.memory_space<hbm>>
    %dma_start3A_17 = tpu.memref_squeeze %dma_start3A_16 : memref<1x32768xf32, #tpu.memory_space<hbm>> -> memref<32768xf32, #tpu.memory_space<hbm>>
    tpu.enqueue_dma source(%dma_start3A_17 : memref<32768xf32, #tpu.memory_space<hbm>>) target(%arg5 : memref<32768xf32, #tpu.memory_space<vmem>>) target_semaphore(%arg8 : memref<!tpu.dma_semaphore, #tpu.memory_space<semaphore_mem>>)
    %add3A_18 = arith.constant 0 : i32
    %add3A_19 = arith.addi %mul3A_2, %add3A_18 : i32
    %dma_wait3A = arith.constant 0 : i32
    %dma_wait3A_20 = tpu.memref_slice %arg2[%add3A_19, %dma_wait3A] : memref<128x32768xf32, #tpu.memory_space<hbm>> -> memref<1x32768xf32, #tpu.memory_space<hbm>>
    %dma_wait3A_21 = tpu.memref_squeeze %dma_wait3A_20 : memref<1x32768xf32, #tpu.memory_space<hbm>> -> memref<32768xf32, #tpu.memory_space<hbm>>
    %dma_wait3A_22 = arith.constant 0 : i32
    %dma_wait3A_23 = tpu.memref_slice %arg2[%add3A_19, %dma_wait3A_22] : memref<128x32768xf32, #tpu.memory_space<hbm>> -> memref<1x32768xf32, #tpu.memory_space<hbm>>
    %dma_wait3A_24 = tpu.memref_squeeze %dma_wait3A_23 : memref<1x32768xf32, #tpu.memory_space<hbm>> -> memref<32768xf32, #tpu.memory_space<hbm>>
    tpu.wait_dma2 semaphore(%arg7 : memref<!tpu.dma_semaphore, #tpu.memory_space<semaphore_mem>>) src(%dma_wait3A_24 : memref<32768xf32, #tpu.memory_space<hbm>>) dst(%arg4 : memref<32768xf32, #tpu.memory_space<vmem>>)
    %broadcast_in_dim3A = arith.constant -3.000000e+38 : f32
    %broadcast_in_dim3A_25 = vector.broadcast %broadcast_in_dim3A : f32 to vector<16xf32>
    %parallel_loop3A = arith.constant 0 : i32
    %parallel_loop3A_26 = arith.constant 2048 : i32
    %parallel_loop3A_27 = arith.constant 1 : i32
    %parallel_loop3A_28 = scf.for %parallel_loop3A_484 = %parallel_loop3A to %parallel_loop3A_26 step %parallel_loop3A_27 iter_args(%parallel_loop3A_485 = %broadcast_in_dim3A_25) -> (vector<16xf32>)  : i32 {
      %parallel_loop3A_486 = arith.constant 16 : i32
      %parallel_loop3A_487 = arith.muli %parallel_loop3A_484, %parallel_loop3A_486 : i32
      %parallel_loop3A_488 = arith.index_cast %parallel_loop3A_487 : i32 to index
      %parallel_loop3A_489 = tpu.vector_load %arg4[%parallel_loop3A_488] {strides = array<i32>} : memref<32768xf32, #tpu.memory_space<vmem>>, vector<16xf32>,
      %parallel_loop3A_490 = arith.maximumf %parallel_loop3A_485, %parallel_loop3A_489 : vector<16xf32>
      scf.yield %parallel_loop3A_490 : vector<16xf32>
    } {sc.loop_unroll_factor = 8 : i64, sc.parallel_access}
    %reduce_max3A = arith.constant true
    %reduce_max3A_29 = vector.broadcast %reduce_max3A : i1 to vector<16xi1>
    %reduce_max3A_30 = tpu.scan <max>, %parallel_loop3A_28 masked %reduce_max3A_29 : vector<16xf32>, vector<16xi1> -> vector<16xf32>
    %reduce_max3A_31 = vector.extract %reduce_max3A_30[15] : f32 from vector<16xf32>
    %sub3A = arith.constant 1.000000e+00 : f32
    %sub3A_32 = arith.subf %reduce_max3A_31, %sub3A : f32
    %broadcast_in_dim3A_33 = vector.broadcast %sub3A_32 : f32 to vector<16xf32>
    %broadcast_in_dim3A_34 = arith.constant 0 : i32
    %broadcast_in_dim3A_35 = vector.broadcast %broadcast_in_dim3A_34 : i32 to vector<16xi32>
    %parallel_loop3A_36 = arith.constant 0 : i32
    %parallel_loop3A_37 = arith.constant 2048 : i32
    %parallel_loop3A_38 = arith.constant 1 : i32
    %parallel_loop3A_39 = scf.for %parallel_loop3A_484 = %parallel_loop3A_36 to %parallel_loop3A_37 step %parallel_loop3A_38 iter_args(%parallel_loop3A_485 = %broadcast_in_dim3A_35) -> (vector<16xi32>)  : i32 {
      %parallel_loop3A_486 = arith.constant 16 : i32
      %parallel_loop3A_487 = arith.muli %parallel_loop3A_484, %parallel_loop3A_486 : i32
      %parallel_loop3A_488 = arith.index_cast %parallel_loop3A_487 : i32 to index
      %parallel_loop3A_489 = tpu.vector_load %arg4[%parallel_loop3A_488] {strides = array<i32>} : memref<32768xf32, #tpu.memory_space<vmem>>, vector<16xf32>,
      %parallel_loop3A_490 = arith.cmpf ogt, %parallel_loop3A_489, %broadcast_in_dim3A_33 : vector<16xf32>
      %parallel_loop3A_491 = vector.extract_strided_slice %parallel_loop3A_485 {offsets = [0], sizes = [1], strides = [1]} : vector<16xi32> to vector<1xi32>
      %parallel_loop3A_492 = vector.extract %parallel_loop3A_491[0] : i32 from vector<1xi32>
      %parallel_loop3A_493 = arith.index_cast %parallel_loop3A_492 : i32 to index
      %parallel_loop3A_494 = tpu.vector_load %arg6[%parallel_loop3A_493] masked %parallel_loop3A_490 {strides = array<i32>} : memref<32784xf32, #tpu.memory_space<vmem>>, vector<16xf32>, vector<16xi1>
      tpu.vector_store %arg6[%parallel_loop3A_493], %parallel_loop3A_489 masked %parallel_loop3A_490 {strides = array<i32>} : memref<32784xf32, #tpu.memory_space<vmem>>, vector<16xf32>, vector<16xi1>
      %parallel_loop3A_495 = tpu.all_reduce %parallel_loop3A_490 {dim = 0 : i64, kind = #tpu.reduction_kind<sum>} : vector<16xi1> -> vector<16xi32>
      %parallel_loop3A_496 = arith.addi %parallel_loop3A_485, %parallel_loop3A_495 : vector<16xi32>
      scf.yield %parallel_loop3A_496 : vector<16xi32>
    } {sc.loop_unroll_factor = 8 : i64, sc.parallel_access}
    %slice3A = vector.extract_strided_slice %parallel_loop3A_39 {offsets = [0], sizes = [1], strides = [1]} : vector<16xi32> to vector<1xi32>
    %squeeze3A = vector.extract %slice3A[0] : i32 from vector<1xi32>
    %iota3A = tpu.iota {dimensions = array<i32: 0>} : vector<16xi32>
    %add3A_40 = vector.broadcast %squeeze3A : i32 to vector<16xi32>
    %add3A_41 = arith.addi %add3A_40, %iota3A : vector<16xi32>
    %sub3A_42 = arith.constant 2.000000e+00 : f32
    %sub3A_43 = arith.subf %reduce_max3A_31, %sub3A_42 : f32
    %broadcast_in_dim3A_44 = vector.broadcast %sub3A_43 : f32 to vector<16xf32>
    tpu.vector_store_idx %arg6[%add3A_41], %broadcast_in_dim3A_44 : memref<32784xf32, #tpu.memory_space<vmem>>[vector<16xi32>], vector<16xf32>,
    %jit3A = arith.constant 16 : i32
    %div3A = arith.divsi %squeeze3A, %jit3A : i32
    %sign3A = arith.constant 0 : i32
    %sign3A_45 = arith.cmpi sgt, %squeeze3A, %sign3A : i32
    %sign3A_46 = arith.extui %sign3A_45 : i1 to i32
    %sign3A_47 = arith.constant 0 : i32
    %sign3A_48 = arith.cmpi slt, %squeeze3A, %sign3A_47 : i32
    %sign3A_49 = arith.extui %sign3A_48 : i1 to i32
    %sign3A_50 = arith.subi %sign3A_46, %sign3A_49 : i32
    %sign3A_51 = arith.constant 0 : i32
    %sign3A_52 = arith.cmpi sgt, %jit3A, %sign3A_51 : i32
    %sign3A_53 = arith.extui %sign3A_52 : i1 to i32
    %sign3A_54 = arith.constant 0 : i32
    %sign3A_55 = arith.cmpi slt, %jit3A, %sign3A_54 : i32
    %sign3A_56 = arith.extui %sign3A_55 : i1 to i32
    %sign3A_57 = arith.subi %sign3A_53, %sign3A_56 : i32
    %ne3A = arith.cmpi ne, %sign3A_50, %sign3A_57 : i32
    %rem3A = arith.remsi %squeeze3A, %jit3A : i32
    %ne3A_58 = arith.constant 0 : i32
    %ne3A_59 = arith.cmpi ne, %rem3A, %ne3A_58 : i32
    %and3A = arith.andi %ne3A, %ne3A_59 : i1
    %sub3A_60 = arith.constant 1 : i32
    %sub3A_61 = arith.subi %div3A, %sub3A_60 : i32
    %select_n3A = arith.select %and3A, %sub3A_61, %div3A : i32
    %add3A_62 = arith.constant 1 : i32
    %add3A_63 = arith.addi %select_n3A, %add3A_62 : i32
    %sub3A_64 = arith.constant 1.000000e+00 : f32
    %sub3A_65 = arith.subf %reduce_max3A_31, %sub3A_64 : f32
    %scan3A = arith.constant 0 : i32
    %scan3A_66 = arith.constant 16 : i32
    %scan3A_67 = arith.addi %scan3A, %scan3A_66 : i32
    %scan3A_68 = arith.constant 1 : i32
    %scan3A_69:2 = scf.for %scan3A_484 = %scan3A to %scan3A_67 step %scan3A_68 iter_args(%scan3A_485 = %sub3A_65, %scan3A_486 = %reduce_max3A_31) -> (f32, f32)  : i32 {
      %add3A_487 = arith.addf %scan3A_485, %scan3A_486 : f32
      %mul3A_488 = arith.constant 5.000000e-01 : f32
      %mul3A_489 = arith.mulf %mul3A_488, %add3A_487 : f32
      %broadcast_in_dim3A_490 = arith.constant 0.000000e+00 : f32
      %broadcast_in_dim3A_491 = vector.broadcast %broadcast_in_dim3A_490 : f32 to vector<16xf32>
      %while3A_492 = arith.constant 0 : i32
      %while3A_493 = arith.subi %add3A_63, %while3A_492 : i32
      %while3A_494 = arith.addi %while3A_492, %while3A_493 : i32
      %while3A_495 = arith.constant 1 : i32
      %while3A_496 = arith.divsi %while3A_493, %while3A_495 : i32
      %while3A_497 = arith.muli %while3A_496, %while3A_495 : i32
      %while3A_498 = arith.addi %while3A_492, %while3A_497 : i32
      %while3A_499 = arith.constant 1 : i32
      %while3A_500 = scf.for %while3A_510 = %while3A_492 to %while3A_498 step %while3A_499 iter_args(%while3A_511 = %broadcast_in_dim3A_491) -> (vector<16xf32>)  : i32 {
        %mul3A_512 = arith.constant 16 : i32
        %mul3A_513 = arith.muli %while3A_510, %mul3A_512 : i32
        %get3A = arith.index_cast %mul3A_513 : i32 to index
        %get3A_514 = tpu.vector_load %arg6[%get3A] {strides = array<i32>} : memref<32784xf32, #tpu.memory_space<vmem>>, vector<16xf32>,
        %sub3A_515 = vector.broadcast %mul3A_489 : f32 to vector<16xf32>
        %sub3A_516 = arith.subf %get3A_514, %sub3A_515 : vector<16xf32>
        %max3A = arith.constant 0.000000e+00 : f32
        %max3A_517 = vector.broadcast %max3A : f32 to vector<16xf32>
        %max3A_518 = arith.maximumf %sub3A_516, %max3A_517 : vector<16xf32>
        %add3A_519 = arith.addf %while3A_511, %max3A_518 : vector<16xf32>
        scf.yield %add3A_519 : vector<16xf32>
      }
      %while3A_501 = arith.constant 1 : i32
      %while3A_502 = scf.for %while3A_510 = %while3A_498 to %while3A_494 step %while3A_501 iter_args(%while3A_511 = %while3A_500) -> (vector<16xf32>)  : i32 {
        %mul3A_512 = arith.constant 16 : i32
        %mul3A_513 = arith.muli %while3A_510, %mul3A_512 : i32
        %get3A = arith.index_cast %mul3A_513 : i32 to index
        %get3A_514 = tpu.vector_load %arg6[%get3A] {strides = array<i32>} : memref<32784xf32, #tpu.memory_space<vmem>>, vector<16xf32>,
        %sub3A_515 = vector.broadcast %mul3A_489 : f32 to vector<16xf32>
        %sub3A_516 = arith.subf %get3A_514, %sub3A_515 : vector<16xf32>
        %max3A = arith.constant 0.000000e+00 : f32
        %max3A_517 = vector.broadcast %max3A : f32 to vector<16xf32>
        %max3A_518 = arith.maximumf %sub3A_516, %max3A_517 : vector<16xf32>
        %add3A_519 = arith.addf %while3A_511, %max3A_518 : vector<16xf32>
        scf.yield %add3A_519 : vector<16xf32>
      }
      %reduce_sum3A_503 = arith.constant true
      %reduce_sum3A_504 = vector.broadcast %reduce_sum3A_503 : i1 to vector<16xi1>
      %reduce_sum3A_505 = tpu.scan <sum>, %while3A_502 masked %reduce_sum3A_504 : vector<16xf32>, vector<16xi1> -> vector<16xf32>
      %reduce_sum3A_506 = vector.extract %reduce_sum3A_505[15] : f32 from vector<16xf32>
      %ge3A = arith.constant 1.000000e+00 : f32
      %ge3A_507 = arith.cmpf oge, %reduce_sum3A_506, %ge3A : f32
      %select_n3A_508 = arith.select %ge3A_507, %mul3A_489, %scan3A_485 : f32
      %select_n3A_509 = arith.select %ge3A_507, %scan3A_486, %mul3A_489 : f32
      scf.yield %select_n3A_508, %select_n3A_509 : f32, f32
    }
    %scan3A_70 = arith.constant 16 : i32
    %broadcast_in_dim3A_71 = arith.constant 0.000000e+00 : f32
    %broadcast_in_dim3A_72 = vector.broadcast %broadcast_in_dim3A_71 : f32 to vector<16xf32>
    %broadcast_in_dim3A_73 = arith.constant 0.000000e+00 : f32
    %broadcast_in_dim3A_74 = vector.broadcast %broadcast_in_dim3A_73 : f32 to vector<16xf32>
    %while3A = arith.constant 0 : i32
    %while3A_75 = arith.subi %add3A_63, %while3A : i32
    %while3A_76 = arith.addi %while3A, %while3A_75 : i32
    %while3A_77 = arith.constant 1 : i32
    %while3A_78 = arith.divsi %while3A_75, %while3A_77 : i32
    %while3A_79 = arith.muli %while3A_78, %while3A_77 : i32
    %while3A_80 = arith.addi %while3A, %while3A_79 : i32
    %while3A_81 = arith.constant 1 : i32
    %while3A_82:2 = scf.for %while3A_484 = %while3A to %while3A_80 step %while3A_81 iter_args(%while3A_485 = %broadcast_in_dim3A_72, %while3A_486 = %broadcast_in_dim3A_74) -> (vector<16xf32>, vector<16xf32>)  : i32 {
      %mul3A_487 = arith.constant 16 : i32
      %mul3A_488 = arith.muli %while3A_484, %mul3A_487 : i32
      %get3A = arith.index_cast %mul3A_488 : i32 to index
      %get3A_489 = tpu.vector_load %arg6[%get3A] {strides = array<i32>} : memref<32784xf32, #tpu.memory_space<vmem>>, vector<16xf32>,
      %gt3A = vector.broadcast %scan3A_69#0 : f32 to vector<16xf32>
      %gt3A_490 = arith.cmpf ogt, %get3A_489, %gt3A : vector<16xf32>
      %convert_element_type3A = arith.extui %gt3A_490 : vector<16xi1> to vector<16xi32>
      %convert_element_type3A_491 = arith.sitofp %convert_element_type3A : vector<16xi32> to vector<16xf32>
      %add3A_492 = arith.addf %while3A_485, %convert_element_type3A_491 : vector<16xf32>
      %jit3A_493 = arith.constant 0.000000e+00 : f32
      %broadcast_in_dim3A_494 = vector.broadcast %jit3A_493 : f32 to vector<16xf32>
      %select_n3A_495 = arith.select %gt3A_490, %get3A_489, %broadcast_in_dim3A_494 : vector<16xi1>, vector<16xf32>
      %add3A_496 = arith.addf %while3A_486, %select_n3A_495 : vector<16xf32>
      scf.yield %add3A_492, %add3A_496 : vector<16xf32>, vector<16xf32>
    }
    %while3A_83 = arith.constant 1 : i32
    %while3A_84:2 = scf.for %while3A_484 = %while3A_80 to %while3A_76 step %while3A_83 iter_args(%while3A_485 = %while3A_82#0, %while3A_486 = %while3A_82#1) -> (vector<16xf32>, vector<16xf32>)  : i32 {
      %mul3A_487 = arith.constant 16 : i32
      %mul3A_488 = arith.muli %while3A_484, %mul3A_487 : i32
      %get3A = arith.index_cast %mul3A_488 : i32 to index
      %get3A_489 = tpu.vector_load %arg6[%get3A] {strides = array<i32>} : memref<32784xf32, #tpu.memory_space<vmem>>, vector<16xf32>,
      %gt3A = vector.broadcast %scan3A_69#0 : f32 to vector<16xf32>
      %gt3A_490 = arith.cmpf ogt, %get3A_489, %gt3A : vector<16xf32>
      %convert_element_type3A = arith.extui %gt3A_490 : vector<16xi1> to vector<16xi32>
      %convert_element_type3A_491 = arith.sitofp %convert_element_type3A : vector<16xi32> to vector<16xf32>
      %add3A_492 = arith.addf %while3A_485, %convert_element_type3A_491 : vector<16xf32>
      %jit3A_493 = arith.constant 0.000000e+00 : f32
      %broadcast_in_dim3A_494 = vector.broadcast %jit3A_493 : f32 to vector<16xf32>
      %select_n3A_495 = arith.select %gt3A_490, %get3A_489, %broadcast_in_dim3A_494 : vector<16xi1>, vector<16xf32>
      %add3A_496 = arith.addf %while3A_486, %select_n3A_495 : vector<16xf32>
      scf.yield %add3A_492, %add3A_496 : vector<16xf32>, vector<16xf32>
    }
    %reduce_sum3A = arith.constant true
    %reduce_sum3A_85 = vector.broadcast %reduce_sum3A : i1 to vector<16xi1>
    %reduce_sum3A_86 = tpu.scan <sum>, %while3A_84#1 masked %reduce_sum3A_85 : vector<16xf32>, vector<16xi1> -> vector<16xf32>
    %reduce_sum3A_87 = vector.extract %reduce_sum3A_86[15] : f32 from vector<16xf32>
    %broadcast_in_dim3A_88 = vector.broadcast %reduce_sum3A_87 : f32 to vector<16xf32>
    %sub3A_89 = arith.constant 1.000000e+00 : f32
    %sub3A_90 = vector.broadcast %sub3A_89 : f32 to vector<16xf32>
    %sub3A_91 = arith.subf %broadcast_in_dim3A_88, %sub3A_90 : vector<16xf32>
    %reduce_sum3A_92 = arith.constant true
    %reduce_sum3A_93 = vector.broadcast %reduce_sum3A_92 : i1 to vector<16xi1>
    %reduce_sum3A_94 = tpu.scan <sum>, %while3A_84#0 masked %reduce_sum3A_93 : vector<16xf32>, vector<16xi1> -> vector<16xf32>
    %reduce_sum3A_95 = vector.extract %reduce_sum3A_94[15] : f32 from vector<16xf32>
    %broadcast_in_dim3A_96 = vector.broadcast %reduce_sum3A_95 : f32 to vector<16xf32>
    %div3A_97 = arith.divf %sub3A_91, %broadcast_in_dim3A_96 : vector<16xf32>
    %parallel_loop3A_98 = arith.constant 0 : i32
    %parallel_loop3A_99 = arith.constant 2048 : i32
    %parallel_loop3A_100 = arith.constant 1 : i32
    scf.for %parallel_loop3A_484 = %parallel_loop3A_98 to %parallel_loop3A_99 step %parallel_loop3A_100  : i32 {
      %parallel_loop3A_485 = arith.constant 16 : i32
      %parallel_loop3A_486 = arith.muli %parallel_loop3A_484, %parallel_loop3A_485 : i32
      %parallel_loop3A_487 = arith.index_cast %parallel_loop3A_486 : i32 to index
      %parallel_loop3A_488 = tpu.vector_load %arg4[%parallel_loop3A_487] {strides = array<i32>} : memref<32768xf32, #tpu.memory_space<vmem>>, vector<16xf32>,
      %parallel_loop3A_489 = arith.subf %parallel_loop3A_488, %div3A_97 : vector<16xf32>
      %parallel_loop3A_490 = arith.constant 0.000000e+00 : f32
      %parallel_loop3A_491 = vector.broadcast %parallel_loop3A_490 : f32 to vector<16xf32>
      %parallel_loop3A_492 = arith.maximumf %parallel_loop3A_489, %parallel_loop3A_491 : vector<16xf32>
      %parallel_loop3A_493 = arith.constant 16 : i32
      %parallel_loop3A_494 = arith.muli %parallel_loop3A_484, %parallel_loop3A_493 : i32
      %parallel_loop3A_495 = arith.index_cast %parallel_loop3A_494 : i32 to index
      %parallel_loop3A_496 = tpu.vector_load %arg4[%parallel_loop3A_495] {strides = array<i32>} : memref<32768xf32, #tpu.memory_space<vmem>>, vector<16xf32>,
      tpu.vector_store %arg4[%parallel_loop3A_495], %parallel_loop3A_492 {strides = array<i32>} : memref<32768xf32, #tpu.memory_space<vmem>>, vector<16xf32>,
    } {sc.loop_unroll_factor = 8 : i64, sc.parallel_access}
    %add3A_101 = arith.constant 0 : i32
    %add3A_102 = arith.addi %mul3A_2, %add3A_101 : i32
    %dma_start3A_103 = arith.constant 0 : i32
    %dma_start3A_104 = tpu.memref_slice %arg3[%add3A_102, %dma_start3A_103] : memref<128x32768xf32, #tpu.memory_space<hbm>> -> memref<1x32768xf32, #tpu.memory_space<hbm>>
    %dma_start3A_105 = tpu.memref_squeeze %dma_start3A_104 : memref<1x32768xf32, #tpu.memory_space<hbm>> -> memref<32768xf32, #tpu.memory_space<hbm>>
    %dma_start3A_106 = arith.constant 0 : i32
    %dma_start3A_107 = tpu.memref_slice %arg3[%add3A_102, %dma_start3A_106] : memref<128x32768xf32, #tpu.memory_space<hbm>> -> memref<1x32768xf32, #tpu.memory_space<hbm>>
    %dma_start3A_108 = tpu.memref_squeeze %dma_start3A_107 : memref<1x32768xf32, #tpu.memory_space<hbm>> -> memref<32768xf32, #tpu.memory_space<hbm>>
    tpu.enqueue_dma source(%arg4 : memref<32768xf32, #tpu.memory_space<vmem>>) target(%dma_start3A_108 : memref<32768xf32, #tpu.memory_space<hbm>>) target_semaphore(%arg9 : memref<!tpu.dma_semaphore, #tpu.memory_space<semaphore_mem>>)
    %add3A_109 = arith.constant 1 : i32
    %add3A_110 = arith.addi %mul3A_2, %add3A_109 : i32
    %dma_wait3A_111 = arith.constant 0 : i32
    %dma_wait3A_112 = tpu.memref_slice %arg2[%add3A_110, %dma_wait3A_111] : memref<128x32768xf32, #tpu.memory_space<hbm>> -> memref<1x32768xf32, #tpu.memory_space<hbm>>
    %dma_wait3A_113 = tpu.memref_squeeze %dma_wait3A_112 : memref<1x32768xf32, #tpu.memory_space<hbm>> -> memref<32768xf32, #tpu.memory_space<hbm>>
    %dma_wait3A_114 = arith.constant 0 : i32
    %dma_wait3A_115 = tpu.memref_slice %arg2[%add3A_110, %dma_wait3A_114] : memref<128x32768xf32, #tpu.memory_space<hbm>> -> memref<1x32768xf32, #tpu.memory_space<hbm>>
    %dma_wait3A_116 = tpu.memref_squeeze %dma_wait3A_115 : memref<1x32768xf32, #tpu.memory_space<hbm>> -> memref<32768xf32, #tpu.memory_space<hbm>>
    tpu.wait_dma2 semaphore(%arg8 : memref<!tpu.dma_semaphore, #tpu.memory_space<semaphore_mem>>) src(%dma_wait3A_116 : memref<32768xf32, #tpu.memory_space<hbm>>) dst(%arg5 : memref<32768xf32, #tpu.memory_space<vmem>>)
    %add3A_117 = arith.constant 0 : i32
    %add3A_118 = arith.addi %mul3A_2, %add3A_117 : i32
    %dma_wait3A_119 = arith.constant 0 : i32
    %dma_wait3A_120 = tpu.memref_slice %arg3[%add3A_118, %dma_wait3A_119] : memref<128x32768xf32, #tpu.memory_space<hbm>> -> memref<1x32768xf32, #tpu.memory_space<hbm>>
    %dma_wait3A_121 = tpu.memref_squeeze %dma_wait3A_120 : memref<1x32768xf32, #tpu.memory_space<hbm>> -> memref<32768xf32, #tpu.memory_space<hbm>>
    %dma_wait3A_122 = arith.constant 0 : i32
    %dma_wait3A_123 = tpu.memref_slice %arg3[%add3A_118, %dma_wait3A_122] : memref<128x32768xf32, #tpu.memory_space<hbm>> -> memref<1x32768xf32, #tpu.memory_space<hbm>>
    %dma_wait3A_124 = tpu.memref_squeeze %dma_wait3A_123 : memref<1x32768xf32, #tpu.memory_space<hbm>> -> memref<32768xf32, #tpu.memory_space<hbm>>
    tpu.wait_dma2 semaphore(%arg9 : memref<!tpu.dma_semaphore, #tpu.memory_space<semaphore_mem>>) src(%arg4 : memref<32768xf32, #tpu.memory_space<vmem>>) dst(%dma_wait3A_124 : memref<32768xf32, #tpu.memory_space<hbm>>)
    %add3A_125 = arith.constant 2 : i32
    %add3A_126 = arith.addi %mul3A_2, %add3A_125 : i32
    %dma_start3A_127 = arith.constant 0 : i32
    %dma_start3A_128 = tpu.memref_slice %arg2[%add3A_126, %dma_start3A_127] : memref<128x32768xf32, #tpu.memory_space<hbm>> -> memref<1x32768xf32, #tpu.memory_space<hbm>>
    %dma_start3A_129 = tpu.memref_squeeze %dma_start3A_128 : memref<1x32768xf32, #tpu.memory_space<hbm>> -> memref<32768xf32, #tpu.memory_space<hbm>>
    %dma_start3A_130 = arith.constant 0 : i32
    %dma_start3A_131 = tpu.memref_slice %arg2[%add3A_126, %dma_start3A_130] : memref<128x32768xf32, #tpu.memory_space<hbm>> -> memref<1x32768xf32, #tpu.memory_space<hbm>>
    %dma_start3A_132 = tpu.memref_squeeze %dma_start3A_131 : memref<1x32768xf32, #tpu.memory_space<hbm>> -> memref<32768xf32, #tpu.memory_space<hbm>>
    tpu.enqueue_dma source(%dma_start3A_132 : memref<32768xf32, #tpu.memory_space<hbm>>) target(%arg4 : memref<32768xf32, #tpu.memory_space<vmem>>) target_semaphore(%arg7 : memref<!tpu.dma_semaphore, #tpu.memory_space<semaphore_mem>>)
    %broadcast_in_dim3A_133 = arith.constant -3.000000e+38 : f32
    %broadcast_in_dim3A_134 = vector.broadcast %broadcast_in_dim3A_133 : f32 to vector<16xf32>
    %parallel_loop3A_135 = arith.constant 0 : i32
    %parallel_loop3A_136 = arith.constant 2048 : i32
    %parallel_loop3A_137 = arith.constant 1 : i32
    %parallel_loop3A_138 = scf.for %parallel_loop3A_484 = %parallel_loop3A_135 to %parallel_loop3A_136 step %parallel_loop3A_137 iter_args(%parallel_loop3A_485 = %broadcast_in_dim3A_134) -> (vector<16xf32>)  : i32 {
      %parallel_loop3A_486 = arith.constant 16 : i32
      %parallel_loop3A_487 = arith.muli %parallel_loop3A_484, %parallel_loop3A_486 : i32
      %parallel_loop3A_488 = arith.index_cast %parallel_loop3A_487 : i32 to index
      %parallel_loop3A_489 = tpu.vector_load %arg5[%parallel_loop3A_488] {strides = array<i32>} : memref<32768xf32, #tpu.memory_space<vmem>>, vector<16xf32>,
      %parallel_loop3A_490 = arith.maximumf %parallel_loop3A_485, %parallel_loop3A_489 : vector<16xf32>
      scf.yield %parallel_loop3A_490 : vector<16xf32>
    } {sc.loop_unroll_factor = 8 : i64, sc.parallel_access}
    %reduce_max3A_139 = arith.constant true
    %reduce_max3A_140 = vector.broadcast %reduce_max3A_139 : i1 to vector<16xi1>
    %reduce_max3A_141 = tpu.scan <max>, %parallel_loop3A_138 masked %reduce_max3A_140 : vector<16xf32>, vector<16xi1> -> vector<16xf32>
    %reduce_max3A_142 = vector.extract %reduce_max3A_141[15] : f32 from vector<16xf32>
    %sub3A_143 = arith.constant 1.000000e+00 : f32
    %sub3A_144 = arith.subf %reduce_max3A_142, %sub3A_143 : f32
    %broadcast_in_dim3A_145 = vector.broadcast %sub3A_144 : f32 to vector<16xf32>
    %broadcast_in_dim3A_146 = arith.constant 0 : i32
    %broadcast_in_dim3A_147 = vector.broadcast %broadcast_in_dim3A_146 : i32 to vector<16xi32>
    %parallel_loop3A_148 = arith.constant 0 : i32
    %parallel_loop3A_149 = arith.constant 2048 : i32
    %parallel_loop3A_150 = arith.constant 1 : i32
    %parallel_loop3A_151 = scf.for %parallel_loop3A_484 = %parallel_loop3A_148 to %parallel_loop3A_149 step %parallel_loop3A_150 iter_args(%parallel_loop3A_485 = %broadcast_in_dim3A_147) -> (vector<16xi32>)  : i32 {
      %parallel_loop3A_486 = arith.constant 16 : i32
      %parallel_loop3A_487 = arith.muli %parallel_loop3A_484, %parallel_loop3A_486 : i32
      %parallel_loop3A_488 = arith.index_cast %parallel_loop3A_487 : i32 to index
      %parallel_loop3A_489 = tpu.vector_load %arg5[%parallel_loop3A_488] {strides = array<i32>} : memref<32768xf32, #tpu.memory_space<vmem>>, vector<16xf32>,
      %parallel_loop3A_490 = arith.cmpf ogt, %parallel_loop3A_489, %broadcast_in_dim3A_145 : vector<16xf32>
      %parallel_loop3A_491 = vector.extract_strided_slice %parallel_loop3A_485 {offsets = [0], sizes = [1], strides = [1]} : vector<16xi32> to vector<1xi32>
      %parallel_loop3A_492 = vector.extract %parallel_loop3A_491[0] : i32 from vector<1xi32>
      %parallel_loop3A_493 = arith.index_cast %parallel_loop3A_492 : i32 to index
      %parallel_loop3A_494 = tpu.vector_load %arg6[%parallel_loop3A_493] masked %parallel_loop3A_490 {strides = array<i32>} : memref<32784xf32, #tpu.memory_space<vmem>>, vector<16xf32>, vector<16xi1>
      tpu.vector_store %arg6[%parallel_loop3A_493], %parallel_loop3A_489 masked %parallel_loop3A_490 {strides = array<i32>} : memref<32784xf32, #tpu.memory_space<vmem>>, vector<16xf32>, vector<16xi1>
      %parallel_loop3A_495 = tpu.all_reduce %parallel_loop3A_490 {dim = 0 : i64, kind = #tpu.reduction_kind<sum>} : vector<16xi1> -> vector<16xi32>
      %parallel_loop3A_496 = arith.addi %parallel_loop3A_485, %parallel_loop3A_495 : vector<16xi32>
      scf.yield %parallel_loop3A_496 : vector<16xi32>
    } {sc.loop_unroll_factor = 8 : i64, sc.parallel_access}
    %slice3A_152 = vector.extract_strided_slice %parallel_loop3A_151 {offsets = [0], sizes = [1], strides = [1]} : vector<16xi32> to vector<1xi32>
    %squeeze3A_153 = vector.extract %slice3A_152[0] : i32 from vector<1xi32>
    %iota3A_154 = tpu.iota {dimensions = array<i32: 0>} : vector<16xi32>
    %add3A_155 = vector.broadcast %squeeze3A_153 : i32 to vector<16xi32>
    %add3A_156 = arith.addi %add3A_155, %iota3A_154 : vector<16xi32>
    %sub3A_157 = arith.constant 2.000000e+00 : f32
    %sub3A_158 = arith.subf %reduce_max3A_142, %sub3A_157 : f32
    %broadcast_in_dim3A_159 = vector.broadcast %sub3A_158 : f32 to vector<16xf32>
    tpu.vector_store_idx %arg6[%add3A_156], %broadcast_in_dim3A_159 : memref<32784xf32, #tpu.memory_space<vmem>>[vector<16xi32>], vector<16xf32>,
    %jit3A_160 = arith.constant 16 : i32
    %div3A_161 = arith.divsi %squeeze3A_153, %jit3A_160 : i32
    %sign3A_162 = arith.constant 0 : i32
    %sign3A_163 = arith.cmpi sgt, %squeeze3A_153, %sign3A_162 : i32
    %sign3A_164 = arith.extui %sign3A_163 : i1 to i32
    %sign3A_165 = arith.constant 0 : i32
    %sign3A_166 = arith.cmpi slt, %squeeze3A_153, %sign3A_165 : i32
    %sign3A_167 = arith.extui %sign3A_166 : i1 to i32
    %sign3A_168 = arith.subi %sign3A_164, %sign3A_167 : i32
    %sign3A_169 = arith.constant 0 : i32
    %sign3A_170 = arith.cmpi sgt, %jit3A_160, %sign3A_169 : i32
    %sign3A_171 = arith.extui %sign3A_170 : i1 to i32
    %sign3A_172 = arith.constant 0 : i32
    %sign3A_173 = arith.cmpi slt, %jit3A_160, %sign3A_172 : i32
    %sign3A_174 = arith.extui %sign3A_173 : i1 to i32
    %sign3A_175 = arith.subi %sign3A_171, %sign3A_174 : i32
    %ne3A_176 = arith.cmpi ne, %sign3A_168, %sign3A_175 : i32
    %rem3A_177 = arith.remsi %squeeze3A_153, %jit3A_160 : i32
    %ne3A_178 = arith.constant 0 : i32
    %ne3A_179 = arith.cmpi ne, %rem3A_177, %ne3A_178 : i32
    %and3A_180 = arith.andi %ne3A_176, %ne3A_179 : i1
    %sub3A_181 = arith.constant 1 : i32
    %sub3A_182 = arith.subi %div3A_161, %sub3A_181 : i32
    %select_n3A_183 = arith.select %and3A_180, %sub3A_182, %div3A_161 : i32
    %add3A_184 = arith.constant 1 : i32
    %add3A_185 = arith.addi %select_n3A_183, %add3A_184 : i32
    %sub3A_186 = arith.constant 1.000000e+00 : f32
    %sub3A_187 = arith.subf %reduce_max3A_142, %sub3A_186 : f32
    %scan3A_188 = arith.constant 0 : i32
    %scan3A_189 = arith.constant 16 : i32
    %scan3A_190 = arith.addi %scan3A_188, %scan3A_189 : i32
    %scan3A_191 = arith.constant 1 : i32
    %scan3A_192:2 = scf.for %scan3A_484 = %scan3A_188 to %scan3A_190 step %scan3A_191 iter_args(%scan3A_485 = %sub3A_187, %scan3A_486 = %reduce_max3A_142) -> (f32, f32)  : i32 {
      %add3A_487 = arith.addf %scan3A_485, %scan3A_486 : f32
      %mul3A_488 = arith.constant 5.000000e-01 : f32
      %mul3A_489 = arith.mulf %mul3A_488, %add3A_487 : f32
      %broadcast_in_dim3A_490 = arith.constant 0.000000e+00 : f32
      %broadcast_in_dim3A_491 = vector.broadcast %broadcast_in_dim3A_490 : f32 to vector<16xf32>
      %while3A_492 = arith.constant 0 : i32
      %while3A_493 = arith.subi %add3A_185, %while3A_492 : i32
      %while3A_494 = arith.addi %while3A_492, %while3A_493 : i32
      %while3A_495 = arith.constant 1 : i32
      %while3A_496 = arith.divsi %while3A_493, %while3A_495 : i32
      %while3A_497 = arith.muli %while3A_496, %while3A_495 : i32
      %while3A_498 = arith.addi %while3A_492, %while3A_497 : i32
      %while3A_499 = arith.constant 1 : i32
      %while3A_500 = scf.for %while3A_510 = %while3A_492 to %while3A_498 step %while3A_499 iter_args(%while3A_511 = %broadcast_in_dim3A_491) -> (vector<16xf32>)  : i32 {
        %mul3A_512 = arith.constant 16 : i32
        %mul3A_513 = arith.muli %while3A_510, %mul3A_512 : i32
        %get3A = arith.index_cast %mul3A_513 : i32 to index
        %get3A_514 = tpu.vector_load %arg6[%get3A] {strides = array<i32>} : memref<32784xf32, #tpu.memory_space<vmem>>, vector<16xf32>,
        %sub3A_515 = vector.broadcast %mul3A_489 : f32 to vector<16xf32>
        %sub3A_516 = arith.subf %get3A_514, %sub3A_515 : vector<16xf32>
        %max3A = arith.constant 0.000000e+00 : f32
        %max3A_517 = vector.broadcast %max3A : f32 to vector<16xf32>
        %max3A_518 = arith.maximumf %sub3A_516, %max3A_517 : vector<16xf32>
        %add3A_519 = arith.addf %while3A_511, %max3A_518 : vector<16xf32>
        scf.yield %add3A_519 : vector<16xf32>
      }
      %while3A_501 = arith.constant 1 : i32
      %while3A_502 = scf.for %while3A_510 = %while3A_498 to %while3A_494 step %while3A_501 iter_args(%while3A_511 = %while3A_500) -> (vector<16xf32>)  : i32 {
        %mul3A_512 = arith.constant 16 : i32
        %mul3A_513 = arith.muli %while3A_510, %mul3A_512 : i32
        %get3A = arith.index_cast %mul3A_513 : i32 to index
        %get3A_514 = tpu.vector_load %arg6[%get3A] {strides = array<i32>} : memref<32784xf32, #tpu.memory_space<vmem>>, vector<16xf32>,
        %sub3A_515 = vector.broadcast %mul3A_489 : f32 to vector<16xf32>
        %sub3A_516 = arith.subf %get3A_514, %sub3A_515 : vector<16xf32>
        %max3A = arith.constant 0.000000e+00 : f32
        %max3A_517 = vector.broadcast %max3A : f32 to vector<16xf32>
        %max3A_518 = arith.maximumf %sub3A_516, %max3A_517 : vector<16xf32>
        %add3A_519 = arith.addf %while3A_511, %max3A_518 : vector<16xf32>
        scf.yield %add3A_519 : vector<16xf32>
      }
      %reduce_sum3A_503 = arith.constant true
      %reduce_sum3A_504 = vector.broadcast %reduce_sum3A_503 : i1 to vector<16xi1>
      %reduce_sum3A_505 = tpu.scan <sum>, %while3A_502 masked %reduce_sum3A_504 : vector<16xf32>, vector<16xi1> -> vector<16xf32>
      %reduce_sum3A_506 = vector.extract %reduce_sum3A_505[15] : f32 from vector<16xf32>
      %ge3A = arith.constant 1.000000e+00 : f32
      %ge3A_507 = arith.cmpf oge, %reduce_sum3A_506, %ge3A : f32
      %select_n3A_508 = arith.select %ge3A_507, %mul3A_489, %scan3A_485 : f32
      %select_n3A_509 = arith.select %ge3A_507, %scan3A_486, %mul3A_489 : f32
      scf.yield %select_n3A_508, %select_n3A_509 : f32, f32
    }
    %scan3A_193 = arith.constant 16 : i32
    %broadcast_in_dim3A_194 = arith.constant 0.000000e+00 : f32
    %broadcast_in_dim3A_195 = vector.broadcast %broadcast_in_dim3A_194 : f32 to vector<16xf32>
    %broadcast_in_dim3A_196 = arith.constant 0.000000e+00 : f32
    %broadcast_in_dim3A_197 = vector.broadcast %broadcast_in_dim3A_196 : f32 to vector<16xf32>
    %while3A_198 = arith.constant 0 : i32
    %while3A_199 = arith.subi %add3A_185, %while3A_198 : i32
    %while3A_200 = arith.addi %while3A_198, %while3A_199 : i32
    %while3A_201 = arith.constant 1 : i32
    %while3A_202 = arith.divsi %while3A_199, %while3A_201 : i32
    %while3A_203 = arith.muli %while3A_202, %while3A_201 : i32
    %while3A_204 = arith.addi %while3A_198, %while3A_203 : i32
    %while3A_205 = arith.constant 1 : i32
    %while3A_206:2 = scf.for %while3A_484 = %while3A_198 to %while3A_204 step %while3A_205 iter_args(%while3A_485 = %broadcast_in_dim3A_195, %while3A_486 = %broadcast_in_dim3A_197) -> (vector<16xf32>, vector<16xf32>)  : i32 {
      %mul3A_487 = arith.constant 16 : i32
      %mul3A_488 = arith.muli %while3A_484, %mul3A_487 : i32
      %get3A = arith.index_cast %mul3A_488 : i32 to index
      %get3A_489 = tpu.vector_load %arg6[%get3A] {strides = array<i32>} : memref<32784xf32, #tpu.memory_space<vmem>>, vector<16xf32>,
      %gt3A = vector.broadcast %scan3A_192#0 : f32 to vector<16xf32>
      %gt3A_490 = arith.cmpf ogt, %get3A_489, %gt3A : vector<16xf32>
      %convert_element_type3A = arith.extui %gt3A_490 : vector<16xi1> to vector<16xi32>
      %convert_element_type3A_491 = arith.sitofp %convert_element_type3A : vector<16xi32> to vector<16xf32>
      %add3A_492 = arith.addf %while3A_485, %convert_element_type3A_491 : vector<16xf32>
      %jit3A_493 = arith.constant 0.000000e+00 : f32
      %broadcast_in_dim3A_494 = vector.broadcast %jit3A_493 : f32 to vector<16xf32>
      %select_n3A_495 = arith.select %gt3A_490, %get3A_489, %broadcast_in_dim3A_494 : vector<16xi1>, vector<16xf32>
      %add3A_496 = arith.addf %while3A_486, %select_n3A_495 : vector<16xf32>
      scf.yield %add3A_492, %add3A_496 : vector<16xf32>, vector<16xf32>
    }
    %while3A_207 = arith.constant 1 : i32
    %while3A_208:2 = scf.for %while3A_484 = %while3A_204 to %while3A_200 step %while3A_207 iter_args(%while3A_485 = %while3A_206#0, %while3A_486 = %while3A_206#1) -> (vector<16xf32>, vector<16xf32>)  : i32 {
      %mul3A_487 = arith.constant 16 : i32
      %mul3A_488 = arith.muli %while3A_484, %mul3A_487 : i32
      %get3A = arith.index_cast %mul3A_488 : i32 to index
      %get3A_489 = tpu.vector_load %arg6[%get3A] {strides = array<i32>} : memref<32784xf32, #tpu.memory_space<vmem>>, vector<16xf32>,
      %gt3A = vector.broadcast %scan3A_192#0 : f32 to vector<16xf32>
      %gt3A_490 = arith.cmpf ogt, %get3A_489, %gt3A : vector<16xf32>
      %convert_element_type3A = arith.extui %gt3A_490 : vector<16xi1> to vector<16xi32>
      %convert_element_type3A_491 = arith.sitofp %convert_element_type3A : vector<16xi32> to vector<16xf32>
      %add3A_492 = arith.addf %while3A_485, %convert_element_type3A_491 : vector<16xf32>
      %jit3A_493 = arith.constant 0.000000e+00 : f32
      %broadcast_in_dim3A_494 = vector.broadcast %jit3A_493 : f32 to vector<16xf32>
      %select_n3A_495 = arith.select %gt3A_490, %get3A_489, %broadcast_in_dim3A_494 : vector<16xi1>, vector<16xf32>
      %add3A_496 = arith.addf %while3A_486, %select_n3A_495 : vector<16xf32>
      scf.yield %add3A_492, %add3A_496 : vector<16xf32>, vector<16xf32>
    }
    %reduce_sum3A_209 = arith.constant true
    %reduce_sum3A_210 = vector.broadcast %reduce_sum3A_209 : i1 to vector<16xi1>
    %reduce_sum3A_211 = tpu.scan <sum>, %while3A_208#1 masked %reduce_sum3A_210 : vector<16xf32>, vector<16xi1> -> vector<16xf32>
    %reduce_sum3A_212 = vector.extract %reduce_sum3A_211[15] : f32 from vector<16xf32>
    %broadcast_in_dim3A_213 = vector.broadcast %reduce_sum3A_212 : f32 to vector<16xf32>
    %sub3A_214 = arith.constant 1.000000e+00 : f32
    %sub3A_215 = vector.broadcast %sub3A_214 : f32 to vector<16xf32>
    %sub3A_216 = arith.subf %broadcast_in_dim3A_213, %sub3A_215 : vector<16xf32>
    %reduce_sum3A_217 = arith.constant true
    %reduce_sum3A_218 = vector.broadcast %reduce_sum3A_217 : i1 to vector<16xi1>
    %reduce_sum3A_219 = tpu.scan <sum>, %while3A_208#0 masked %reduce_sum3A_218 : vector<16xf32>, vector<16xi1> -> vector<16xf32>
    %reduce_sum3A_220 = vector.extract %reduce_sum3A_219[15] : f32 from vector<16xf32>
    %broadcast_in_dim3A_221 = vector.broadcast %reduce_sum3A_220 : f32 to vector<16xf32>
    %div3A_222 = arith.divf %sub3A_216, %broadcast_in_dim3A_221 : vector<16xf32>
    %parallel_loop3A_223 = arith.constant 0 : i32
    %parallel_loop3A_224 = arith.constant 2048 : i32
    %parallel_loop3A_225 = arith.constant 1 : i32
    scf.for %parallel_loop3A_484 = %parallel_loop3A_223 to %parallel_loop3A_224 step %parallel_loop3A_225  : i32 {
      %parallel_loop3A_485 = arith.constant 16 : i32
      %parallel_loop3A_486 = arith.muli %parallel_loop3A_484, %parallel_loop3A_485 : i32
      %parallel_loop3A_487 = arith.index_cast %parallel_loop3A_486 : i32 to index
      %parallel_loop3A_488 = tpu.vector_load %arg5[%parallel_loop3A_487] {strides = array<i32>} : memref<32768xf32, #tpu.memory_space<vmem>>, vector<16xf32>,
      %parallel_loop3A_489 = arith.subf %parallel_loop3A_488, %div3A_222 : vector<16xf32>
      %parallel_loop3A_490 = arith.constant 0.000000e+00 : f32
      %parallel_loop3A_491 = vector.broadcast %parallel_loop3A_490 : f32 to vector<16xf32>
      %parallel_loop3A_492 = arith.maximumf %parallel_loop3A_489, %parallel_loop3A_491 : vector<16xf32>
      %parallel_loop3A_493 = arith.constant 16 : i32
      %parallel_loop3A_494 = arith.muli %parallel_loop3A_484, %parallel_loop3A_493 : i32
      %parallel_loop3A_495 = arith.index_cast %parallel_loop3A_494 : i32 to index
      %parallel_loop3A_496 = tpu.vector_load %arg5[%parallel_loop3A_495] {strides = array<i32>} : memref<32768xf32, #tpu.memory_space<vmem>>, vector<16xf32>,
      tpu.vector_store %arg5[%parallel_loop3A_495], %parallel_loop3A_492 {strides = array<i32>} : memref<32768xf32, #tpu.memory_space<vmem>>, vector<16xf32>,
    } {sc.loop_unroll_factor = 8 : i64, sc.parallel_access}
    %add3A_226 = arith.constant 1 : i32
    %add3A_227 = arith.addi %mul3A_2, %add3A_226 : i32
    %dma_start3A_228 = arith.constant 0 : i32
    %dma_start3A_229 = tpu.memref_slice %arg3[%add3A_227, %dma_start3A_228] : memref<128x32768xf32, #tpu.memory_space<hbm>> -> memref<1x32768xf32, #tpu.memory_space<hbm>>
    %dma_start3A_230 = tpu.memref_squeeze %dma_start3A_229 : memref<1x32768xf32, #tpu.memory_space<hbm>> -> memref<32768xf32, #tpu.memory_space<hbm>>
    %dma_start3A_231 = arith.constant 0 : i32
    %dma_start3A_232 = tpu.memref_slice %arg3[%add3A_227, %dma_start3A_231] : memref<128x32768xf32, #tpu.memory_space<hbm>> -> memref<1x32768xf32, #tpu.memory_space<hbm>>
    %dma_start3A_233 = tpu.memref_squeeze %dma_start3A_232 : memref<1x32768xf32, #tpu.memory_space<hbm>> -> memref<32768xf32, #tpu.memory_space<hbm>>
    tpu.enqueue_dma source(%arg5 : memref<32768xf32, #tpu.memory_space<vmem>>) target(%dma_start3A_233 : memref<32768xf32, #tpu.memory_space<hbm>>) target_semaphore(%arg10 : memref<!tpu.dma_semaphore, #tpu.memory_space<semaphore_mem>>)
    %add3A_234 = arith.constant 2 : i32
    %add3A_235 = arith.addi %mul3A_2, %add3A_234 : i32
    %dma_wait3A_236 = arith.constant 0 : i32
    %dma_wait3A_237 = tpu.memref_slice %arg2[%add3A_235, %dma_wait3A_236] : memref<128x32768xf32, #tpu.memory_space<hbm>> -> memref<1x32768xf32, #tpu.memory_space<hbm>>
    %dma_wait3A_238 = tpu.memref_squeeze %dma_wait3A_237 : memref<1x32768xf32, #tpu.memory_space<hbm>> -> memref<32768xf32, #tpu.memory_space<hbm>>
    %dma_wait3A_239 = arith.constant 0 : i32
    %dma_wait3A_240 = tpu.memref_slice %arg2[%add3A_235, %dma_wait3A_239] : memref<128x32768xf32, #tpu.memory_space<hbm>> -> memref<1x32768xf32, #tpu.memory_space<hbm>>
    %dma_wait3A_241 = tpu.memref_squeeze %dma_wait3A_240 : memref<1x32768xf32, #tpu.memory_space<hbm>> -> memref<32768xf32, #tpu.memory_space<hbm>>
    tpu.wait_dma2 semaphore(%arg7 : memref<!tpu.dma_semaphore, #tpu.memory_space<semaphore_mem>>) src(%dma_wait3A_241 : memref<32768xf32, #tpu.memory_space<hbm>>) dst(%arg4 : memref<32768xf32, #tpu.memory_space<vmem>>)
    %add3A_242 = arith.constant 1 : i32
    %add3A_243 = arith.addi %mul3A_2, %add3A_242 : i32
    %dma_wait3A_244 = arith.constant 0 : i32
    %dma_wait3A_245 = tpu.memref_slice %arg3[%add3A_243, %dma_wait3A_244] : memref<128x32768xf32, #tpu.memory_space<hbm>> -> memref<1x32768xf32, #tpu.memory_space<hbm>>
    %dma_wait3A_246 = tpu.memref_squeeze %dma_wait3A_245 : memref<1x32768xf32, #tpu.memory_space<hbm>> -> memref<32768xf32, #tpu.memory_space<hbm>>
    %dma_wait3A_247 = arith.constant 0 : i32
    %dma_wait3A_248 = tpu.memref_slice %arg3[%add3A_243, %dma_wait3A_247] : memref<128x32768xf32, #tpu.memory_space<hbm>> -> memref<1x32768xf32, #tpu.memory_space<hbm>>
    %dma_wait3A_249 = tpu.memref_squeeze %dma_wait3A_248 : memref<1x32768xf32, #tpu.memory_space<hbm>> -> memref<32768xf32, #tpu.memory_space<hbm>>
    tpu.wait_dma2 semaphore(%arg10 : memref<!tpu.dma_semaphore, #tpu.memory_space<semaphore_mem>>) src(%arg5 : memref<32768xf32, #tpu.memory_space<vmem>>) dst(%dma_wait3A_249 : memref<32768xf32, #tpu.memory_space<hbm>>)
    %add3A_250 = arith.constant 3 : i32
    %add3A_251 = arith.addi %mul3A_2, %add3A_250 : i32
    %dma_start3A_252 = arith.constant 0 : i32
    %dma_start3A_253 = tpu.memref_slice %arg2[%add3A_251, %dma_start3A_252] : memref<128x32768xf32, #tpu.memory_space<hbm>> -> memref<1x32768xf32, #tpu.memory_space<hbm>>
    %dma_start3A_254 = tpu.memref_squeeze %dma_start3A_253 : memref<1x32768xf32, #tpu.memory_space<hbm>> -> memref<32768xf32, #tpu.memory_space<hbm>>
    %dma_start3A_255 = arith.constant 0 : i32
    %dma_start3A_256 = tpu.memref_slice %arg2[%add3A_251, %dma_start3A_255] : memref<128x32768xf32, #tpu.memory_space<hbm>> -> memref<1x32768xf32, #tpu.memory_space<hbm>>
    %dma_start3A_257 = tpu.memref_squeeze %dma_start3A_256 : memref<1x32768xf32, #tpu.memory_space<hbm>> -> memref<32768xf32, #tpu.memory_space<hbm>>
    tpu.enqueue_dma source(%dma_start3A_257 : memref<32768xf32, #tpu.memory_space<hbm>>) target(%arg5 : memref<32768xf32, #tpu.memory_space<vmem>>) target_semaphore(%arg8 : memref<!tpu.dma_semaphore, #tpu.memory_space<semaphore_mem>>)
    %broadcast_in_dim3A_258 = arith.constant -3.000000e+38 : f32
    %broadcast_in_dim3A_259 = vector.broadcast %broadcast_in_dim3A_258 : f32 to vector<16xf32>
    %parallel_loop3A_260 = arith.constant 0 : i32
    %parallel_loop3A_261 = arith.constant 2048 : i32
    %parallel_loop3A_262 = arith.constant 1 : i32
    %parallel_loop3A_263 = scf.for %parallel_loop3A_484 = %parallel_loop3A_260 to %parallel_loop3A_261 step %parallel_loop3A_262 iter_args(%parallel_loop3A_485 = %broadcast_in_dim3A_259) -> (vector<16xf32>)  : i32 {
      %parallel_loop3A_486 = arith.constant 16 : i32
      %parallel_loop3A_487 = arith.muli %parallel_loop3A_484, %parallel_loop3A_486 : i32
      %parallel_loop3A_488 = arith.index_cast %parallel_loop3A_487 : i32 to index
      %parallel_loop3A_489 = tpu.vector_load %arg4[%parallel_loop3A_488] {strides = array<i32>} : memref<32768xf32, #tpu.memory_space<vmem>>, vector<16xf32>,
      %parallel_loop3A_490 = arith.maximumf %parallel_loop3A_485, %parallel_loop3A_489 : vector<16xf32>
      scf.yield %parallel_loop3A_490 : vector<16xf32>
    } {sc.loop_unroll_factor = 8 : i64, sc.parallel_access}
    %reduce_max3A_264 = arith.constant true
    %reduce_max3A_265 = vector.broadcast %reduce_max3A_264 : i1 to vector<16xi1>
    %reduce_max3A_266 = tpu.scan <max>, %parallel_loop3A_263 masked %reduce_max3A_265 : vector<16xf32>, vector<16xi1> -> vector<16xf32>
    %reduce_max3A_267 = vector.extract %reduce_max3A_266[15] : f32 from vector<16xf32>
    %sub3A_268 = arith.constant 1.000000e+00 : f32
    %sub3A_269 = arith.subf %reduce_max3A_267, %sub3A_268 : f32
    %broadcast_in_dim3A_270 = vector.broadcast %sub3A_269 : f32 to vector<16xf32>
    %broadcast_in_dim3A_271 = arith.constant 0 : i32
    %broadcast_in_dim3A_272 = vector.broadcast %broadcast_in_dim3A_271 : i32 to vector<16xi32>
    %parallel_loop3A_273 = arith.constant 0 : i32
    %parallel_loop3A_274 = arith.constant 2048 : i32
    %parallel_loop3A_275 = arith.constant 1 : i32
    %parallel_loop3A_276 = scf.for %parallel_loop3A_484 = %parallel_loop3A_273 to %parallel_loop3A_274 step %parallel_loop3A_275 iter_args(%parallel_loop3A_485 = %broadcast_in_dim3A_272) -> (vector<16xi32>)  : i32 {
      %parallel_loop3A_486 = arith.constant 16 : i32
      %parallel_loop3A_487 = arith.muli %parallel_loop3A_484, %parallel_loop3A_486 : i32
      %parallel_loop3A_488 = arith.index_cast %parallel_loop3A_487 : i32 to index
      %parallel_loop3A_489 = tpu.vector_load %arg4[%parallel_loop3A_488] {strides = array<i32>} : memref<32768xf32, #tpu.memory_space<vmem>>, vector<16xf32>,
      %parallel_loop3A_490 = arith.cmpf ogt, %parallel_loop3A_489, %broadcast_in_dim3A_270 : vector<16xf32>
      %parallel_loop3A_491 = vector.extract_strided_slice %parallel_loop3A_485 {offsets = [0], sizes = [1], strides = [1]} : vector<16xi32> to vector<1xi32>
      %parallel_loop3A_492 = vector.extract %parallel_loop3A_491[0] : i32 from vector<1xi32>
      %parallel_loop3A_493 = arith.index_cast %parallel_loop3A_492 : i32 to index
      %parallel_loop3A_494 = tpu.vector_load %arg6[%parallel_loop3A_493] masked %parallel_loop3A_490 {strides = array<i32>} : memref<32784xf32, #tpu.memory_space<vmem>>, vector<16xf32>, vector<16xi1>
      tpu.vector_store %arg6[%parallel_loop3A_493], %parallel_loop3A_489 masked %parallel_loop3A_490 {strides = array<i32>} : memref<32784xf32, #tpu.memory_space<vmem>>, vector<16xf32>, vector<16xi1>
      %parallel_loop3A_495 = tpu.all_reduce %parallel_loop3A_490 {dim = 0 : i64, kind = #tpu.reduction_kind<sum>} : vector<16xi1> -> vector<16xi32>
      %parallel_loop3A_496 = arith.addi %parallel_loop3A_485, %parallel_loop3A_495 : vector<16xi32>
      scf.yield %parallel_loop3A_496 : vector<16xi32>
    } {sc.loop_unroll_factor = 8 : i64, sc.parallel_access}
    %slice3A_277 = vector.extract_strided_slice %parallel_loop3A_276 {offsets = [0], sizes = [1], strides = [1]} : vector<16xi32> to vector<1xi32>
    %squeeze3A_278 = vector.extract %slice3A_277[0] : i32 from vector<1xi32>
    %iota3A_279 = tpu.iota {dimensions = array<i32: 0>} : vector<16xi32>
    %add3A_280 = vector.broadcast %squeeze3A_278 : i32 to vector<16xi32>
    %add3A_281 = arith.addi %add3A_280, %iota3A_279 : vector<16xi32>
    %sub3A_282 = arith.constant 2.000000e+00 : f32
    %sub3A_283 = arith.subf %reduce_max3A_267, %sub3A_282 : f32
    %broadcast_in_dim3A_284 = vector.broadcast %sub3A_283 : f32 to vector<16xf32>
    tpu.vector_store_idx %arg6[%add3A_281], %broadcast_in_dim3A_284 : memref<32784xf32, #tpu.memory_space<vmem>>[vector<16xi32>], vector<16xf32>,
    %jit3A_285 = arith.constant 16 : i32
    %div3A_286 = arith.divsi %squeeze3A_278, %jit3A_285 : i32
    %sign3A_287 = arith.constant 0 : i32
    %sign3A_288 = arith.cmpi sgt, %squeeze3A_278, %sign3A_287 : i32
    %sign3A_289 = arith.extui %sign3A_288 : i1 to i32
    %sign3A_290 = arith.constant 0 : i32
    %sign3A_291 = arith.cmpi slt, %squeeze3A_278, %sign3A_290 : i32
    %sign3A_292 = arith.extui %sign3A_291 : i1 to i32
    %sign3A_293 = arith.subi %sign3A_289, %sign3A_292 : i32
    %sign3A_294 = arith.constant 0 : i32
    %sign3A_295 = arith.cmpi sgt, %jit3A_285, %sign3A_294 : i32
    %sign3A_296 = arith.extui %sign3A_295 : i1 to i32
    %sign3A_297 = arith.constant 0 : i32
    %sign3A_298 = arith.cmpi slt, %jit3A_285, %sign3A_297 : i32
    %sign3A_299 = arith.extui %sign3A_298 : i1 to i32
    %sign3A_300 = arith.subi %sign3A_296, %sign3A_299 : i32
    %ne3A_301 = arith.cmpi ne, %sign3A_293, %sign3A_300 : i32
    %rem3A_302 = arith.remsi %squeeze3A_278, %jit3A_285 : i32
    %ne3A_303 = arith.constant 0 : i32
    %ne3A_304 = arith.cmpi ne, %rem3A_302, %ne3A_303 : i32
    %and3A_305 = arith.andi %ne3A_301, %ne3A_304 : i1
    %sub3A_306 = arith.constant 1 : i32
    %sub3A_307 = arith.subi %div3A_286, %sub3A_306 : i32
    %select_n3A_308 = arith.select %and3A_305, %sub3A_307, %div3A_286 : i32
    %add3A_309 = arith.constant 1 : i32
    %add3A_310 = arith.addi %select_n3A_308, %add3A_309 : i32
    %sub3A_311 = arith.constant 1.000000e+00 : f32
    %sub3A_312 = arith.subf %reduce_max3A_267, %sub3A_311 : f32
    %scan3A_313 = arith.constant 0 : i32
    %scan3A_314 = arith.constant 16 : i32
    %scan3A_315 = arith.addi %scan3A_313, %scan3A_314 : i32
    %scan3A_316 = arith.constant 1 : i32
    %scan3A_317:2 = scf.for %scan3A_484 = %scan3A_313 to %scan3A_315 step %scan3A_316 iter_args(%scan3A_485 = %sub3A_312, %scan3A_486 = %reduce_max3A_267) -> (f32, f32)  : i32 {
      %add3A_487 = arith.addf %scan3A_485, %scan3A_486 : f32
      %mul3A_488 = arith.constant 5.000000e-01 : f32
      %mul3A_489 = arith.mulf %mul3A_488, %add3A_487 : f32
      %broadcast_in_dim3A_490 = arith.constant 0.000000e+00 : f32
      %broadcast_in_dim3A_491 = vector.broadcast %broadcast_in_dim3A_490 : f32 to vector<16xf32>
      %while3A_492 = arith.constant 0 : i32
      %while3A_493 = arith.subi %add3A_310, %while3A_492 : i32
      %while3A_494 = arith.addi %while3A_492, %while3A_493 : i32
      %while3A_495 = arith.constant 1 : i32
      %while3A_496 = arith.divsi %while3A_493, %while3A_495 : i32
      %while3A_497 = arith.muli %while3A_496, %while3A_495 : i32
      %while3A_498 = arith.addi %while3A_492, %while3A_497 : i32
      %while3A_499 = arith.constant 1 : i32
      %while3A_500 = scf.for %while3A_510 = %while3A_492 to %while3A_498 step %while3A_499 iter_args(%while3A_511 = %broadcast_in_dim3A_491) -> (vector<16xf32>)  : i32 {
        %mul3A_512 = arith.constant 16 : i32
        %mul3A_513 = arith.muli %while3A_510, %mul3A_512 : i32
        %get3A = arith.index_cast %mul3A_513 : i32 to index
        %get3A_514 = tpu.vector_load %arg6[%get3A] {strides = array<i32>} : memref<32784xf32, #tpu.memory_space<vmem>>, vector<16xf32>,
        %sub3A_515 = vector.broadcast %mul3A_489 : f32 to vector<16xf32>
        %sub3A_516 = arith.subf %get3A_514, %sub3A_515 : vector<16xf32>
        %max3A = arith.constant 0.000000e+00 : f32
        %max3A_517 = vector.broadcast %max3A : f32 to vector<16xf32>
        %max3A_518 = arith.maximumf %sub3A_516, %max3A_517 : vector<16xf32>
        %add3A_519 = arith.addf %while3A_511, %max3A_518 : vector<16xf32>
        scf.yield %add3A_519 : vector<16xf32>
      }
      %while3A_501 = arith.constant 1 : i32
      %while3A_502 = scf.for %while3A_510 = %while3A_498 to %while3A_494 step %while3A_501 iter_args(%while3A_511 = %while3A_500) -> (vector<16xf32>)  : i32 {
        %mul3A_512 = arith.constant 16 : i32
        %mul3A_513 = arith.muli %while3A_510, %mul3A_512 : i32
        %get3A = arith.index_cast %mul3A_513 : i32 to index
        %get3A_514 = tpu.vector_load %arg6[%get3A] {strides = array<i32>} : memref<32784xf32, #tpu.memory_space<vmem>>, vector<16xf32>,
        %sub3A_515 = vector.broadcast %mul3A_489 : f32 to vector<16xf32>
        %sub3A_516 = arith.subf %get3A_514, %sub3A_515 : vector<16xf32>
        %max3A = arith.constant 0.000000e+00 : f32
        %max3A_517 = vector.broadcast %max3A : f32 to vector<16xf32>
        %max3A_518 = arith.maximumf %sub3A_516, %max3A_517 : vector<16xf32>
        %add3A_519 = arith.addf %while3A_511, %max3A_518 : vector<16xf32>
        scf.yield %add3A_519 : vector<16xf32>
      }
      %reduce_sum3A_503 = arith.constant true
      %reduce_sum3A_504 = vector.broadcast %reduce_sum3A_503 : i1 to vector<16xi1>
      %reduce_sum3A_505 = tpu.scan <sum>, %while3A_502 masked %reduce_sum3A_504 : vector<16xf32>, vector<16xi1> -> vector<16xf32>
      %reduce_sum3A_506 = vector.extract %reduce_sum3A_505[15] : f32 from vector<16xf32>
      %ge3A = arith.constant 1.000000e+00 : f32
      %ge3A_507 = arith.cmpf oge, %reduce_sum3A_506, %ge3A : f32
      %select_n3A_508 = arith.select %ge3A_507, %mul3A_489, %scan3A_485 : f32
      %select_n3A_509 = arith.select %ge3A_507, %scan3A_486, %mul3A_489 : f32
      scf.yield %select_n3A_508, %select_n3A_509 : f32, f32
    }
    %scan3A_318 = arith.constant 16 : i32
    %broadcast_in_dim3A_319 = arith.constant 0.000000e+00 : f32
    %broadcast_in_dim3A_320 = vector.broadcast %broadcast_in_dim3A_319 : f32 to vector<16xf32>
    %broadcast_in_dim3A_321 = arith.constant 0.000000e+00 : f32
    %broadcast_in_dim3A_322 = vector.broadcast %broadcast_in_dim3A_321 : f32 to vector<16xf32>
    %while3A_323 = arith.constant 0 : i32
    %while3A_324 = arith.subi %add3A_310, %while3A_323 : i32
    %while3A_325 = arith.addi %while3A_323, %while3A_324 : i32
    %while3A_326 = arith.constant 1 : i32
    %while3A_327 = arith.divsi %while3A_324, %while3A_326 : i32
    %while3A_328 = arith.muli %while3A_327, %while3A_326 : i32
    %while3A_329 = arith.addi %while3A_323, %while3A_328 : i32
    %while3A_330 = arith.constant 1 : i32
    %while3A_331:2 = scf.for %while3A_484 = %while3A_323 to %while3A_329 step %while3A_330 iter_args(%while3A_485 = %broadcast_in_dim3A_320, %while3A_486 = %broadcast_in_dim3A_322) -> (vector<16xf32>, vector<16xf32>)  : i32 {
      %mul3A_487 = arith.constant 16 : i32
      %mul3A_488 = arith.muli %while3A_484, %mul3A_487 : i32
      %get3A = arith.index_cast %mul3A_488 : i32 to index
      %get3A_489 = tpu.vector_load %arg6[%get3A] {strides = array<i32>} : memref<32784xf32, #tpu.memory_space<vmem>>, vector<16xf32>,
      %gt3A = vector.broadcast %scan3A_317#0 : f32 to vector<16xf32>
      %gt3A_490 = arith.cmpf ogt, %get3A_489, %gt3A : vector<16xf32>
      %convert_element_type3A = arith.extui %gt3A_490 : vector<16xi1> to vector<16xi32>
      %convert_element_type3A_491 = arith.sitofp %convert_element_type3A : vector<16xi32> to vector<16xf32>
      %add3A_492 = arith.addf %while3A_485, %convert_element_type3A_491 : vector<16xf32>
      %jit3A_493 = arith.constant 0.000000e+00 : f32
      %broadcast_in_dim3A_494 = vector.broadcast %jit3A_493 : f32 to vector<16xf32>
      %select_n3A_495 = arith.select %gt3A_490, %get3A_489, %broadcast_in_dim3A_494 : vector<16xi1>, vector<16xf32>
      %add3A_496 = arith.addf %while3A_486, %select_n3A_495 : vector<16xf32>
      scf.yield %add3A_492, %add3A_496 : vector<16xf32>, vector<16xf32>
    }
    %while3A_332 = arith.constant 1 : i32
    %while3A_333:2 = scf.for %while3A_484 = %while3A_329 to %while3A_325 step %while3A_332 iter_args(%while3A_485 = %while3A_331#0, %while3A_486 = %while3A_331#1) -> (vector<16xf32>, vector<16xf32>)  : i32 {
      %mul3A_487 = arith.constant 16 : i32
      %mul3A_488 = arith.muli %while3A_484, %mul3A_487 : i32
      %get3A = arith.index_cast %mul3A_488 : i32 to index
      %get3A_489 = tpu.vector_load %arg6[%get3A] {strides = array<i32>} : memref<32784xf32, #tpu.memory_space<vmem>>, vector<16xf32>,
      %gt3A = vector.broadcast %scan3A_317#0 : f32 to vector<16xf32>
      %gt3A_490 = arith.cmpf ogt, %get3A_489, %gt3A : vector<16xf32>
      %convert_element_type3A = arith.extui %gt3A_490 : vector<16xi1> to vector<16xi32>
      %convert_element_type3A_491 = arith.sitofp %convert_element_type3A : vector<16xi32> to vector<16xf32>
      %add3A_492 = arith.addf %while3A_485, %convert_element_type3A_491 : vector<16xf32>
      %jit3A_493 = arith.constant 0.000000e+00 : f32
      %broadcast_in_dim3A_494 = vector.broadcast %jit3A_493 : f32 to vector<16xf32>
      %select_n3A_495 = arith.select %gt3A_490, %get3A_489, %broadcast_in_dim3A_494 : vector<16xi1>, vector<16xf32>
      %add3A_496 = arith.addf %while3A_486, %select_n3A_495 : vector<16xf32>
      scf.yield %add3A_492, %add3A_496 : vector<16xf32>, vector<16xf32>
    }
    %reduce_sum3A_334 = arith.constant true
    %reduce_sum3A_335 = vector.broadcast %reduce_sum3A_334 : i1 to vector<16xi1>
    %reduce_sum3A_336 = tpu.scan <sum>, %while3A_333#1 masked %reduce_sum3A_335 : vector<16xf32>, vector<16xi1> -> vector<16xf32>
    %reduce_sum3A_337 = vector.extract %reduce_sum3A_336[15] : f32 from vector<16xf32>
    %broadcast_in_dim3A_338 = vector.broadcast %reduce_sum3A_337 : f32 to vector<16xf32>
    %sub3A_339 = arith.constant 1.000000e+00 : f32
    %sub3A_340 = vector.broadcast %sub3A_339 : f32 to vector<16xf32>
    %sub3A_341 = arith.subf %broadcast_in_dim3A_338, %sub3A_340 : vector<16xf32>
    %reduce_sum3A_342 = arith.constant true
    %reduce_sum3A_343 = vector.broadcast %reduce_sum3A_342 : i1 to vector<16xi1>
    %reduce_sum3A_344 = tpu.scan <sum>, %while3A_333#0 masked %reduce_sum3A_343 : vector<16xf32>, vector<16xi1> -> vector<16xf32>
    %reduce_sum3A_345 = vector.extract %reduce_sum3A_344[15] : f32 from vector<16xf32>
    %broadcast_in_dim3A_346 = vector.broadcast %reduce_sum3A_345 : f32 to vector<16xf32>
    %div3A_347 = arith.divf %sub3A_341, %broadcast_in_dim3A_346 : vector<16xf32>
    %parallel_loop3A_348 = arith.constant 0 : i32
    %parallel_loop3A_349 = arith.constant 2048 : i32
    %parallel_loop3A_350 = arith.constant 1 : i32
    scf.for %parallel_loop3A_484 = %parallel_loop3A_348 to %parallel_loop3A_349 step %parallel_loop3A_350  : i32 {
      %parallel_loop3A_485 = arith.constant 16 : i32
      %parallel_loop3A_486 = arith.muli %parallel_loop3A_484, %parallel_loop3A_485 : i32
      %parallel_loop3A_487 = arith.index_cast %parallel_loop3A_486 : i32 to index
      %parallel_loop3A_488 = tpu.vector_load %arg4[%parallel_loop3A_487] {strides = array<i32>} : memref<32768xf32, #tpu.memory_space<vmem>>, vector<16xf32>,
      %parallel_loop3A_489 = arith.subf %parallel_loop3A_488, %div3A_347 : vector<16xf32>
      %parallel_loop3A_490 = arith.constant 0.000000e+00 : f32
      %parallel_loop3A_491 = vector.broadcast %parallel_loop3A_490 : f32 to vector<16xf32>
      %parallel_loop3A_492 = arith.maximumf %parallel_loop3A_489, %parallel_loop3A_491 : vector<16xf32>
      %parallel_loop3A_493 = arith.constant 16 : i32
      %parallel_loop3A_494 = arith.muli %parallel_loop3A_484, %parallel_loop3A_493 : i32
      %parallel_loop3A_495 = arith.index_cast %parallel_loop3A_494 : i32 to index
      %parallel_loop3A_496 = tpu.vector_load %arg4[%parallel_loop3A_495] {strides = array<i32>} : memref<32768xf32, #tpu.memory_space<vmem>>, vector<16xf32>,
      tpu.vector_store %arg4[%parallel_loop3A_495], %parallel_loop3A_492 {strides = array<i32>} : memref<32768xf32, #tpu.memory_space<vmem>>, vector<16xf32>,
    } {sc.loop_unroll_factor = 8 : i64, sc.parallel_access}
    %add3A_351 = arith.constant 2 : i32
    %add3A_352 = arith.addi %mul3A_2, %add3A_351 : i32
    %dma_start3A_353 = arith.constant 0 : i32
    %dma_start3A_354 = tpu.memref_slice %arg3[%add3A_352, %dma_start3A_353] : memref<128x32768xf32, #tpu.memory_space<hbm>> -> memref<1x32768xf32, #tpu.memory_space<hbm>>
    %dma_start3A_355 = tpu.memref_squeeze %dma_start3A_354 : memref<1x32768xf32, #tpu.memory_space<hbm>> -> memref<32768xf32, #tpu.memory_space<hbm>>
    %dma_start3A_356 = arith.constant 0 : i32
    %dma_start3A_357 = tpu.memref_slice %arg3[%add3A_352, %dma_start3A_356] : memref<128x32768xf32, #tpu.memory_space<hbm>> -> memref<1x32768xf32, #tpu.memory_space<hbm>>
    %dma_start3A_358 = tpu.memref_squeeze %dma_start3A_357 : memref<1x32768xf32, #tpu.memory_space<hbm>> -> memref<32768xf32, #tpu.memory_space<hbm>>
    tpu.enqueue_dma source(%arg4 : memref<32768xf32, #tpu.memory_space<vmem>>) target(%dma_start3A_358 : memref<32768xf32, #tpu.memory_space<hbm>>) target_semaphore(%arg9 : memref<!tpu.dma_semaphore, #tpu.memory_space<semaphore_mem>>)
    %add3A_359 = arith.constant 3 : i32
    %add3A_360 = arith.addi %mul3A_2, %add3A_359 : i32
    %dma_wait3A_361 = arith.constant 0 : i32
    %dma_wait3A_362 = tpu.memref_slice %arg2[%add3A_360, %dma_wait3A_361] : memref<128x32768xf32, #tpu.memory_space<hbm>> -> memref<1x32768xf32, #tpu.memory_space<hbm>>
    %dma_wait3A_363 = tpu.memref_squeeze %dma_wait3A_362 : memref<1x32768xf32, #tpu.memory_space<hbm>> -> memref<32768xf32, #tpu.memory_space<hbm>>
    %dma_wait3A_364 = arith.constant 0 : i32
    %dma_wait3A_365 = tpu.memref_slice %arg2[%add3A_360, %dma_wait3A_364] : memref<128x32768xf32, #tpu.memory_space<hbm>> -> memref<1x32768xf32, #tpu.memory_space<hbm>>
    %dma_wait3A_366 = tpu.memref_squeeze %dma_wait3A_365 : memref<1x32768xf32, #tpu.memory_space<hbm>> -> memref<32768xf32, #tpu.memory_space<hbm>>
    tpu.wait_dma2 semaphore(%arg8 : memref<!tpu.dma_semaphore, #tpu.memory_space<semaphore_mem>>) src(%dma_wait3A_366 : memref<32768xf32, #tpu.memory_space<hbm>>) dst(%arg5 : memref<32768xf32, #tpu.memory_space<vmem>>)
    %broadcast_in_dim3A_367 = arith.constant -3.000000e+38 : f32
    %broadcast_in_dim3A_368 = vector.broadcast %broadcast_in_dim3A_367 : f32 to vector<16xf32>
    %parallel_loop3A_369 = arith.constant 0 : i32
    %parallel_loop3A_370 = arith.constant 2048 : i32
    %parallel_loop3A_371 = arith.constant 1 : i32
    %parallel_loop3A_372 = scf.for %parallel_loop3A_484 = %parallel_loop3A_369 to %parallel_loop3A_370 step %parallel_loop3A_371 iter_args(%parallel_loop3A_485 = %broadcast_in_dim3A_368) -> (vector<16xf32>)  : i32 {
      %parallel_loop3A_486 = arith.constant 16 : i32
      %parallel_loop3A_487 = arith.muli %parallel_loop3A_484, %parallel_loop3A_486 : i32
      %parallel_loop3A_488 = arith.index_cast %parallel_loop3A_487 : i32 to index
      %parallel_loop3A_489 = tpu.vector_load %arg5[%parallel_loop3A_488] {strides = array<i32>} : memref<32768xf32, #tpu.memory_space<vmem>>, vector<16xf32>,
      %parallel_loop3A_490 = arith.maximumf %parallel_loop3A_485, %parallel_loop3A_489 : vector<16xf32>
      scf.yield %parallel_loop3A_490 : vector<16xf32>
    } {sc.loop_unroll_factor = 8 : i64, sc.parallel_access}
    %reduce_max3A_373 = arith.constant true
    %reduce_max3A_374 = vector.broadcast %reduce_max3A_373 : i1 to vector<16xi1>
    %reduce_max3A_375 = tpu.scan <max>, %parallel_loop3A_372 masked %reduce_max3A_374 : vector<16xf32>, vector<16xi1> -> vector<16xf32>
    %reduce_max3A_376 = vector.extract %reduce_max3A_375[15] : f32 from vector<16xf32>
    %sub3A_377 = arith.constant 1.000000e+00 : f32
    %sub3A_378 = arith.subf %reduce_max3A_376, %sub3A_377 : f32
    %broadcast_in_dim3A_379 = vector.broadcast %sub3A_378 : f32 to vector<16xf32>
    %broadcast_in_dim3A_380 = arith.constant 0 : i32
    %broadcast_in_dim3A_381 = vector.broadcast %broadcast_in_dim3A_380 : i32 to vector<16xi32>
    %parallel_loop3A_382 = arith.constant 0 : i32
    %parallel_loop3A_383 = arith.constant 2048 : i32
    %parallel_loop3A_384 = arith.constant 1 : i32
    %parallel_loop3A_385 = scf.for %parallel_loop3A_484 = %parallel_loop3A_382 to %parallel_loop3A_383 step %parallel_loop3A_384 iter_args(%parallel_loop3A_485 = %broadcast_in_dim3A_381) -> (vector<16xi32>)  : i32 {
      %parallel_loop3A_486 = arith.constant 16 : i32
      %parallel_loop3A_487 = arith.muli %parallel_loop3A_484, %parallel_loop3A_486 : i32
      %parallel_loop3A_488 = arith.index_cast %parallel_loop3A_487 : i32 to index
      %parallel_loop3A_489 = tpu.vector_load %arg5[%parallel_loop3A_488] {strides = array<i32>} : memref<32768xf32, #tpu.memory_space<vmem>>, vector<16xf32>,
      %parallel_loop3A_490 = arith.cmpf ogt, %parallel_loop3A_489, %broadcast_in_dim3A_379 : vector<16xf32>
      %parallel_loop3A_491 = vector.extract_strided_slice %parallel_loop3A_485 {offsets = [0], sizes = [1], strides = [1]} : vector<16xi32> to vector<1xi32>
      %parallel_loop3A_492 = vector.extract %parallel_loop3A_491[0] : i32 from vector<1xi32>
      %parallel_loop3A_493 = arith.index_cast %parallel_loop3A_492 : i32 to index
      %parallel_loop3A_494 = tpu.vector_load %arg6[%parallel_loop3A_493] masked %parallel_loop3A_490 {strides = array<i32>} : memref<32784xf32, #tpu.memory_space<vmem>>, vector<16xf32>, vector<16xi1>
      tpu.vector_store %arg6[%parallel_loop3A_493], %parallel_loop3A_489 masked %parallel_loop3A_490 {strides = array<i32>} : memref<32784xf32, #tpu.memory_space<vmem>>, vector<16xf32>, vector<16xi1>
      %parallel_loop3A_495 = tpu.all_reduce %parallel_loop3A_490 {dim = 0 : i64, kind = #tpu.reduction_kind<sum>} : vector<16xi1> -> vector<16xi32>
      %parallel_loop3A_496 = arith.addi %parallel_loop3A_485, %parallel_loop3A_495 : vector<16xi32>
      scf.yield %parallel_loop3A_496 : vector<16xi32>
    } {sc.loop_unroll_factor = 8 : i64, sc.parallel_access}
    %slice3A_386 = vector.extract_strided_slice %parallel_loop3A_385 {offsets = [0], sizes = [1], strides = [1]} : vector<16xi32> to vector<1xi32>
    %squeeze3A_387 = vector.extract %slice3A_386[0] : i32 from vector<1xi32>
    %iota3A_388 = tpu.iota {dimensions = array<i32: 0>} : vector<16xi32>
    %add3A_389 = vector.broadcast %squeeze3A_387 : i32 to vector<16xi32>
    %add3A_390 = arith.addi %add3A_389, %iota3A_388 : vector<16xi32>
    %sub3A_391 = arith.constant 2.000000e+00 : f32
    %sub3A_392 = arith.subf %reduce_max3A_376, %sub3A_391 : f32
    %broadcast_in_dim3A_393 = vector.broadcast %sub3A_392 : f32 to vector<16xf32>
    tpu.vector_store_idx %arg6[%add3A_390], %broadcast_in_dim3A_393 : memref<32784xf32, #tpu.memory_space<vmem>>[vector<16xi32>], vector<16xf32>,
    %jit3A_394 = arith.constant 16 : i32
    %div3A_395 = arith.divsi %squeeze3A_387, %jit3A_394 : i32
    %sign3A_396 = arith.constant 0 : i32
    %sign3A_397 = arith.cmpi sgt, %squeeze3A_387, %sign3A_396 : i32
    %sign3A_398 = arith.extui %sign3A_397 : i1 to i32
    %sign3A_399 = arith.constant 0 : i32
    %sign3A_400 = arith.cmpi slt, %squeeze3A_387, %sign3A_399 : i32
    %sign3A_401 = arith.extui %sign3A_400 : i1 to i32
    %sign3A_402 = arith.subi %sign3A_398, %sign3A_401 : i32
    %sign3A_403 = arith.constant 0 : i32
    %sign3A_404 = arith.cmpi sgt, %jit3A_394, %sign3A_403 : i32
    %sign3A_405 = arith.extui %sign3A_404 : i1 to i32
    %sign3A_406 = arith.constant 0 : i32
    %sign3A_407 = arith.cmpi slt, %jit3A_394, %sign3A_406 : i32
    %sign3A_408 = arith.extui %sign3A_407 : i1 to i32
    %sign3A_409 = arith.subi %sign3A_405, %sign3A_408 : i32
    %ne3A_410 = arith.cmpi ne, %sign3A_402, %sign3A_409 : i32
    %rem3A_411 = arith.remsi %squeeze3A_387, %jit3A_394 : i32
    %ne3A_412 = arith.constant 0 : i32
    %ne3A_413 = arith.cmpi ne, %rem3A_411, %ne3A_412 : i32
    %and3A_414 = arith.andi %ne3A_410, %ne3A_413 : i1
    %sub3A_415 = arith.constant 1 : i32
    %sub3A_416 = arith.subi %div3A_395, %sub3A_415 : i32
    %select_n3A_417 = arith.select %and3A_414, %sub3A_416, %div3A_395 : i32
    %add3A_418 = arith.constant 1 : i32
    %add3A_419 = arith.addi %select_n3A_417, %add3A_418 : i32
    %sub3A_420 = arith.constant 1.000000e+00 : f32
    %sub3A_421 = arith.subf %reduce_max3A_376, %sub3A_420 : f32
    %scan3A_422 = arith.constant 0 : i32
    %scan3A_423 = arith.constant 16 : i32
    %scan3A_424 = arith.addi %scan3A_422, %scan3A_423 : i32
    %scan3A_425 = arith.constant 1 : i32
    %scan3A_426:2 = scf.for %scan3A_484 = %scan3A_422 to %scan3A_424 step %scan3A_425 iter_args(%scan3A_485 = %sub3A_421, %scan3A_486 = %reduce_max3A_376) -> (f32, f32)  : i32 {
      %add3A_487 = arith.addf %scan3A_485, %scan3A_486 : f32
      %mul3A_488 = arith.constant 5.000000e-01 : f32
      %mul3A_489 = arith.mulf %mul3A_488, %add3A_487 : f32
      %broadcast_in_dim3A_490 = arith.constant 0.000000e+00 : f32
      %broadcast_in_dim3A_491 = vector.broadcast %broadcast_in_dim3A_490 : f32 to vector<16xf32>
      %while3A_492 = arith.constant 0 : i32
      %while3A_493 = arith.subi %add3A_419, %while3A_492 : i32
      %while3A_494 = arith.addi %while3A_492, %while3A_493 : i32
      %while3A_495 = arith.constant 1 : i32
      %while3A_496 = arith.divsi %while3A_493, %while3A_495 : i32
      %while3A_497 = arith.muli %while3A_496, %while3A_495 : i32
      %while3A_498 = arith.addi %while3A_492, %while3A_497 : i32
      %while3A_499 = arith.constant 1 : i32
      %while3A_500 = scf.for %while3A_510 = %while3A_492 to %while3A_498 step %while3A_499 iter_args(%while3A_511 = %broadcast_in_dim3A_491) -> (vector<16xf32>)  : i32 {
        %mul3A_512 = arith.constant 16 : i32
        %mul3A_513 = arith.muli %while3A_510, %mul3A_512 : i32
        %get3A = arith.index_cast %mul3A_513 : i32 to index
        %get3A_514 = tpu.vector_load %arg6[%get3A] {strides = array<i32>} : memref<32784xf32, #tpu.memory_space<vmem>>, vector<16xf32>,
        %sub3A_515 = vector.broadcast %mul3A_489 : f32 to vector<16xf32>
        %sub3A_516 = arith.subf %get3A_514, %sub3A_515 : vector<16xf32>
        %max3A = arith.constant 0.000000e+00 : f32
        %max3A_517 = vector.broadcast %max3A : f32 to vector<16xf32>
        %max3A_518 = arith.maximumf %sub3A_516, %max3A_517 : vector<16xf32>
        %add3A_519 = arith.addf %while3A_511, %max3A_518 : vector<16xf32>
        scf.yield %add3A_519 : vector<16xf32>
      }
      %while3A_501 = arith.constant 1 : i32
      %while3A_502 = scf.for %while3A_510 = %while3A_498 to %while3A_494 step %while3A_501 iter_args(%while3A_511 = %while3A_500) -> (vector<16xf32>)  : i32 {
        %mul3A_512 = arith.constant 16 : i32
        %mul3A_513 = arith.muli %while3A_510, %mul3A_512 : i32
        %get3A = arith.index_cast %mul3A_513 : i32 to index
        %get3A_514 = tpu.vector_load %arg6[%get3A] {strides = array<i32>} : memref<32784xf32, #tpu.memory_space<vmem>>, vector<16xf32>,
        %sub3A_515 = vector.broadcast %mul3A_489 : f32 to vector<16xf32>
        %sub3A_516 = arith.subf %get3A_514, %sub3A_515 : vector<16xf32>
        %max3A = arith.constant 0.000000e+00 : f32
        %max3A_517 = vector.broadcast %max3A : f32 to vector<16xf32>
        %max3A_518 = arith.maximumf %sub3A_516, %max3A_517 : vector<16xf32>
        %add3A_519 = arith.addf %while3A_511, %max3A_518 : vector<16xf32>
        scf.yield %add3A_519 : vector<16xf32>
      }
      %reduce_sum3A_503 = arith.constant true
      %reduce_sum3A_504 = vector.broadcast %reduce_sum3A_503 : i1 to vector<16xi1>
      %reduce_sum3A_505 = tpu.scan <sum>, %while3A_502 masked %reduce_sum3A_504 : vector<16xf32>, vector<16xi1> -> vector<16xf32>
      %reduce_sum3A_506 = vector.extract %reduce_sum3A_505[15] : f32 from vector<16xf32>
      %ge3A = arith.constant 1.000000e+00 : f32
      %ge3A_507 = arith.cmpf oge, %reduce_sum3A_506, %ge3A : f32
      %select_n3A_508 = arith.select %ge3A_507, %mul3A_489, %scan3A_485 : f32
      %select_n3A_509 = arith.select %ge3A_507, %scan3A_486, %mul3A_489 : f32
      scf.yield %select_n3A_508, %select_n3A_509 : f32, f32
    }
    %scan3A_427 = arith.constant 16 : i32
    %broadcast_in_dim3A_428 = arith.constant 0.000000e+00 : f32
    %broadcast_in_dim3A_429 = vector.broadcast %broadcast_in_dim3A_428 : f32 to vector<16xf32>
    %broadcast_in_dim3A_430 = arith.constant 0.000000e+00 : f32
    %broadcast_in_dim3A_431 = vector.broadcast %broadcast_in_dim3A_430 : f32 to vector<16xf32>
    %while3A_432 = arith.constant 0 : i32
    %while3A_433 = arith.subi %add3A_419, %while3A_432 : i32
    %while3A_434 = arith.addi %while3A_432, %while3A_433 : i32
    %while3A_435 = arith.constant 1 : i32
    %while3A_436 = arith.divsi %while3A_433, %while3A_435 : i32
    %while3A_437 = arith.muli %while3A_436, %while3A_435 : i32
    %while3A_438 = arith.addi %while3A_432, %while3A_437 : i32
    %while3A_439 = arith.constant 1 : i32
    %while3A_440:2 = scf.for %while3A_484 = %while3A_432 to %while3A_438 step %while3A_439 iter_args(%while3A_485 = %broadcast_in_dim3A_429, %while3A_486 = %broadcast_in_dim3A_431) -> (vector<16xf32>, vector<16xf32>)  : i32 {
      %mul3A_487 = arith.constant 16 : i32
      %mul3A_488 = arith.muli %while3A_484, %mul3A_487 : i32
      %get3A = arith.index_cast %mul3A_488 : i32 to index
      %get3A_489 = tpu.vector_load %arg6[%get3A] {strides = array<i32>} : memref<32784xf32, #tpu.memory_space<vmem>>, vector<16xf32>,
      %gt3A = vector.broadcast %scan3A_426#0 : f32 to vector<16xf32>
      %gt3A_490 = arith.cmpf ogt, %get3A_489, %gt3A : vector<16xf32>
      %convert_element_type3A = arith.extui %gt3A_490 : vector<16xi1> to vector<16xi32>
      %convert_element_type3A_491 = arith.sitofp %convert_element_type3A : vector<16xi32> to vector<16xf32>
      %add3A_492 = arith.addf %while3A_485, %convert_element_type3A_491 : vector<16xf32>
      %jit3A_493 = arith.constant 0.000000e+00 : f32
      %broadcast_in_dim3A_494 = vector.broadcast %jit3A_493 : f32 to vector<16xf32>
      %select_n3A_495 = arith.select %gt3A_490, %get3A_489, %broadcast_in_dim3A_494 : vector<16xi1>, vector<16xf32>
      %add3A_496 = arith.addf %while3A_486, %select_n3A_495 : vector<16xf32>
      scf.yield %add3A_492, %add3A_496 : vector<16xf32>, vector<16xf32>
    }
    %while3A_441 = arith.constant 1 : i32
    %while3A_442:2 = scf.for %while3A_484 = %while3A_438 to %while3A_434 step %while3A_441 iter_args(%while3A_485 = %while3A_440#0, %while3A_486 = %while3A_440#1) -> (vector<16xf32>, vector<16xf32>)  : i32 {
      %mul3A_487 = arith.constant 16 : i32
      %mul3A_488 = arith.muli %while3A_484, %mul3A_487 : i32
      %get3A = arith.index_cast %mul3A_488 : i32 to index
      %get3A_489 = tpu.vector_load %arg6[%get3A] {strides = array<i32>} : memref<32784xf32, #tpu.memory_space<vmem>>, vector<16xf32>,
      %gt3A = vector.broadcast %scan3A_426#0 : f32 to vector<16xf32>
      %gt3A_490 = arith.cmpf ogt, %get3A_489, %gt3A : vector<16xf32>
      %convert_element_type3A = arith.extui %gt3A_490 : vector<16xi1> to vector<16xi32>
      %convert_element_type3A_491 = arith.sitofp %convert_element_type3A : vector<16xi32> to vector<16xf32>
      %add3A_492 = arith.addf %while3A_485, %convert_element_type3A_491 : vector<16xf32>
      %jit3A_493 = arith.constant 0.000000e+00 : f32
      %broadcast_in_dim3A_494 = vector.broadcast %jit3A_493 : f32 to vector<16xf32>
      %select_n3A_495 = arith.select %gt3A_490, %get3A_489, %broadcast_in_dim3A_494 : vector<16xi1>, vector<16xf32>
      %add3A_496 = arith.addf %while3A_486, %select_n3A_495 : vector<16xf32>
      scf.yield %add3A_492, %add3A_496 : vector<16xf32>, vector<16xf32>
    }
    %reduce_sum3A_443 = arith.constant true
    %reduce_sum3A_444 = vector.broadcast %reduce_sum3A_443 : i1 to vector<16xi1>
    %reduce_sum3A_445 = tpu.scan <sum>, %while3A_442#1 masked %reduce_sum3A_444 : vector<16xf32>, vector<16xi1> -> vector<16xf32>
    %reduce_sum3A_446 = vector.extract %reduce_sum3A_445[15] : f32 from vector<16xf32>
    %broadcast_in_dim3A_447 = vector.broadcast %reduce_sum3A_446 : f32 to vector<16xf32>
    %sub3A_448 = arith.constant 1.000000e+00 : f32
    %sub3A_449 = vector.broadcast %sub3A_448 : f32 to vector<16xf32>
    %sub3A_450 = arith.subf %broadcast_in_dim3A_447, %sub3A_449 : vector<16xf32>
    %reduce_sum3A_451 = arith.constant true
    %reduce_sum3A_452 = vector.broadcast %reduce_sum3A_451 : i1 to vector<16xi1>
    %reduce_sum3A_453 = tpu.scan <sum>, %while3A_442#0 masked %reduce_sum3A_452 : vector<16xf32>, vector<16xi1> -> vector<16xf32>
    %reduce_sum3A_454 = vector.extract %reduce_sum3A_453[15] : f32 from vector<16xf32>
    %broadcast_in_dim3A_455 = vector.broadcast %reduce_sum3A_454 : f32 to vector<16xf32>
    %div3A_456 = arith.divf %sub3A_450, %broadcast_in_dim3A_455 : vector<16xf32>
    %parallel_loop3A_457 = arith.constant 0 : i32
    %parallel_loop3A_458 = arith.constant 2048 : i32
    %parallel_loop3A_459 = arith.constant 1 : i32
    scf.for %parallel_loop3A_484 = %parallel_loop3A_457 to %parallel_loop3A_458 step %parallel_loop3A_459  : i32 {
      %parallel_loop3A_485 = arith.constant 16 : i32
      %parallel_loop3A_486 = arith.muli %parallel_loop3A_484, %parallel_loop3A_485 : i32
      %parallel_loop3A_487 = arith.index_cast %parallel_loop3A_486 : i32 to index
      %parallel_loop3A_488 = tpu.vector_load %arg5[%parallel_loop3A_487] {strides = array<i32>} : memref<32768xf32, #tpu.memory_space<vmem>>, vector<16xf32>,
      %parallel_loop3A_489 = arith.subf %parallel_loop3A_488, %div3A_456 : vector<16xf32>
      %parallel_loop3A_490 = arith.constant 0.000000e+00 : f32
      %parallel_loop3A_491 = vector.broadcast %parallel_loop3A_490 : f32 to vector<16xf32>
      %parallel_loop3A_492 = arith.maximumf %parallel_loop3A_489, %parallel_loop3A_491 : vector<16xf32>
      %parallel_loop3A_493 = arith.constant 16 : i32
      %parallel_loop3A_494 = arith.muli %parallel_loop3A_484, %parallel_loop3A_493 : i32
      %parallel_loop3A_495 = arith.index_cast %parallel_loop3A_494 : i32 to index
      %parallel_loop3A_496 = tpu.vector_load %arg5[%parallel_loop3A_495] {strides = array<i32>} : memref<32768xf32, #tpu.memory_space<vmem>>, vector<16xf32>,
      tpu.vector_store %arg5[%parallel_loop3A_495], %parallel_loop3A_492 {strides = array<i32>} : memref<32768xf32, #tpu.memory_space<vmem>>, vector<16xf32>,
    } {sc.loop_unroll_factor = 8 : i64, sc.parallel_access}
    %add3A_460 = arith.constant 3 : i32
    %add3A_461 = arith.addi %mul3A_2, %add3A_460 : i32
    %dma_start3A_462 = arith.constant 0 : i32
    %dma_start3A_463 = tpu.memref_slice %arg3[%add3A_461, %dma_start3A_462] : memref<128x32768xf32, #tpu.memory_space<hbm>> -> memref<1x32768xf32, #tpu.memory_space<hbm>>
    %dma_start3A_464 = tpu.memref_squeeze %dma_start3A_463 : memref<1x32768xf32, #tpu.memory_space<hbm>> -> memref<32768xf32, #tpu.memory_space<hbm>>
    %dma_start3A_465 = arith.constant 0 : i32
    %dma_start3A_466 = tpu.memref_slice %arg3[%add3A_461, %dma_start3A_465] : memref<128x32768xf32, #tpu.memory_space<hbm>> -> memref<1x32768xf32, #tpu.memory_space<hbm>>
    %dma_start3A_467 = tpu.memref_squeeze %dma_start3A_466 : memref<1x32768xf32, #tpu.memory_space<hbm>> -> memref<32768xf32, #tpu.memory_space<hbm>>
    tpu.enqueue_dma source(%arg5 : memref<32768xf32, #tpu.memory_space<vmem>>) target(%dma_start3A_467 : memref<32768xf32, #tpu.memory_space<hbm>>) target_semaphore(%arg10 : memref<!tpu.dma_semaphore, #tpu.memory_space<semaphore_mem>>)
    %add3A_468 = arith.constant 2 : i32
    %add3A_469 = arith.addi %mul3A_2, %add3A_468 : i32
    %dma_wait3A_470 = arith.constant 0 : i32
    %dma_wait3A_471 = tpu.memref_slice %arg3[%add3A_469, %dma_wait3A_470] : memref<128x32768xf32, #tpu.memory_space<hbm>> -> memref<1x32768xf32, #tpu.memory_space<hbm>>
    %dma_wait3A_472 = tpu.memref_squeeze %dma_wait3A_471 : memref<1x32768xf32, #tpu.memory_space<hbm>> -> memref<32768xf32, #tpu.memory_space<hbm>>
    %dma_wait3A_473 = arith.constant 0 : i32
    %dma_wait3A_474 = tpu.memref_slice %arg3[%add3A_469, %dma_wait3A_473] : memref<128x32768xf32, #tpu.memory_space<hbm>> -> memref<1x32768xf32, #tpu.memory_space<hbm>>
    %dma_wait3A_475 = tpu.memref_squeeze %dma_wait3A_474 : memref<1x32768xf32, #tpu.memory_space<hbm>> -> memref<32768xf32, #tpu.memory_space<hbm>>
    tpu.wait_dma2 semaphore(%arg9 : memref<!tpu.dma_semaphore, #tpu.memory_space<semaphore_mem>>) src(%arg4 : memref<32768xf32, #tpu.memory_space<vmem>>) dst(%dma_wait3A_475 : memref<32768xf32, #tpu.memory_space<hbm>>)
    %add3A_476 = arith.constant 3 : i32
    %add3A_477 = arith.addi %mul3A_2, %add3A_476 : i32
    %dma_wait3A_478 = arith.constant 0 : i32
    %dma_wait3A_479 = tpu.memref_slice %arg3[%add3A_477, %dma_wait3A_478] : memref<128x32768xf32, #tpu.memory_space<hbm>> -> memref<1x32768xf32, #tpu.memory_space<hbm>>
    %dma_wait3A_480 = tpu.memref_squeeze %dma_wait3A_479 : memref<1x32768xf32, #tpu.memory_space<hbm>> -> memref<32768xf32, #tpu.memory_space<hbm>>
    %dma_wait3A_481 = arith.constant 0 : i32
    %dma_wait3A_482 = tpu.memref_slice %arg3[%add3A_477, %dma_wait3A_481] : memref<128x32768xf32, #tpu.memory_space<hbm>> -> memref<1x32768xf32, #tpu.memory_space<hbm>>
    %dma_wait3A_483 = tpu.memref_squeeze %dma_wait3A_482 : memref<1x32768xf32, #tpu.memory_space<hbm>> -> memref<32768xf32, #tpu.memory_space<hbm>>
    tpu.wait_dma2 semaphore(%arg10 : memref<!tpu.dma_semaphore, #tpu.memory_space<semaphore_mem>>) src(%arg5 : memref<32768xf32, #tpu.memory_space<vmem>>) dst(%dma_wait3A_483 : memref<32768xf32, #tpu.memory_space<hbm>>)
    return
  }
}

</mosaic_0001>

<sc_bundles>
// kernel: kernel.3.cloned.1.call-start
scs
__scs_entry_jumppad:
0x0: {  	(pc) =	sbr.rel $0x88, $3  }
0x1: {  	(tag) =	ssettag $0x0;
	lr =	simm.s32 $0x1  }
0x2: {  	[smem:$0x3FA0] =	sst lr;
	_ =	strace $0xD0000000  }
0x3: {  	_ = 	snop  }
0x4: {  	_ = 	snop  }
0x5: {  	_ = 	snop  }
0x6: {  	_ = 	snop  }
0x7: {  	_ = 	snop  }
__scs_overlays_trampoline_lowered:
0x8: {  	[smem:$0x3FAF] =	sst s0  }
0x9: {  	[smem:$0x3FB0] =	sst s1  }
0xa: {  	[smem:$0x3FB1] =	sst s2  }
0xb: {  	[smem:$0x3FB2] =	sst s3  }
0xc: {  	[smem:$0x3FB3] =	sst s4  }
0xd: {  	[smem:$0x3FB4] =	sst s5  }
0xe: {  	[smem:$0x3FB5] =	sst s6  }
0xf: {  	[smem:$0x3FB6] =	sst s7  }
0x10: {  	[smem:$0x3FB7] =	sst s8  }
0x11: {  	[smem:$0x3FB8] =	sst s9;
	s0 =	simm.s32 @!p0 $0x0  }
0x12: {  	s1 =	sld [smem:$0x3F9E];
	s0 =	simm.s32 @p0 $0x1  }
0x13: {  	[smem:$0x3FB9] =	sst s0;
	s0 =	simm.s32 @!p1 $0x0  }
0x14: {  	s2 =	sld [smem:$0x3F9D];
	s0 =	simm.s32 @p1 $0x1  }
0x15: {  	[smem:$0x3FBA] =	sst s0;
	s0 =	simm.s32 @!p2 $0x0  }
0x16: {  	s3 =	sld [smem:$0x3FDB];
	s0 =	simm.s32 @p2 $0x1  }
0x17: {  	s4 =	simm.s32 $0x1BF5;
	[smem:$0x3FBC] =	sst s0  }
0x18: {  	s0 =	sld [smem:$0x3F9F];
	_ =	swait.ge [sflag:s4], $0x0  }
0x19: {  	s7 =	sld [smem:$0x3FA0]  }
0x1a: {  	s8 =	sadd.s32 $0xFFFFE003, lr  }
0x1b: {  	s9 =	sadd.s32 $0xFFFFFEF7, lr;
	s5 =	simm.s32 $0xFFFFFFFF;
	p2 =	slt.u32 s8, $0xFFFFF086  }
0x1c: {  	p1 =	slt.u32 s9, $0xF7A;
	s5 =	simm.s32 @!p2 $0x0  }
0x1d: {  	s5 =	simm.s32 @p1 $0x1;
	p0 =	seq.s32 s7, s2  }
0x1e: {  	s7 =	smul.u32 @!p0 $0xF7A, s2;
	p2 =	seq.s32 @!p0 s5, $0x0  }
0x1f: {  	s9 =	smul.u32 $0xF7A, s1;
	s8 =	simm.s32 @!p0 $0x1BF5;
	p2 =	por !p2, p0  }
0x20: {  	[sflag:s8] =	ssyncset.s32 @!p0 $0xFFFFF086;
	s6 =	sadd.s32 @!p0 s3, s7;
	s7 =	simm.s32 @!p0 $0x108  }
0x21: {  	s3 =	sadd.s32 s3, s9;
	s6 =	sadd.s32 @!p0 $0x88, s6;
	s7 =	simm.s32 @p2 $0x1082  }
0x22: {  	[simem:s7], [sflag:s8] =	dma.local @!p0 [hbm:s6], $0xF7A  }
0x23: {  	s9 =	sor.u32 $0xD0000000, s2;
	s6 =	simm.s32 $0x108;
	_ =	swait.ge @!p0 [sflag:s8], $0x0  }
0x24: {  	s3 =	sadd.s32 $0x88, s3;
	s6 =	simm.s32 @!p1 $0x1082;
	[sflag:s4] =	ssyncset.s32 $0xFFFFF086  }
0x25: {  	[simem:s6], [sflag:s4] =	dma.local [hbm:s3], $0xF7A  }
0x26: {  	[smem:$0x3FA0] =	sst s1;
	(tag) =	ssettag s2;
	_ =	strace s9  }
0x27: {  	s1 =	sld [smem:$0x3FB0]  }
0x28: {  	s2 =	sld [smem:$0x3FB1]  }
0x29: {  	s4 =	sld [smem:$0x3FB3]  }
0x2a: {  	p0 =	seq.s32 s5, $0x0;
	s5 =	sld [smem:$0x3FB4]  }
0x2b: {  	s6 =	sld [smem:$0x3FB5]  }
0x2c: {  	s7 =	sld [smem:$0x3FB6]  }
0x2d: {  	s3 =	simm.s32 $0x108;
	s8 =	sld [smem:$0x3FB7]  }
0x2e: {  	s3 =	simm.s32 @!p0 $0x1082;
	s9 =	sld [smem:$0x3FB8]  }
0x2f: {  	lr =	sadd.s32 s0, s3;
	s0 =	sld [smem:$0x3FAF]  }
0x30: {  	s3 =	sld [smem:$0x3FB2]  }
0x31: {  	[smem:$0x3FBB] =	sst s10  }
0x32: {  	s10 =	sld [smem:$0x3FB9];
	_ =	sdelay $0x3  }
0x33: {  	p0 =	seq.s32 s10, $0x1;
	s10 =	sld [smem:$0x3FBB];
	_ =	sdelay $0x3  }
0x34: {  	[smem:$0x3FBB] =	sst s10  }
0x35: {  	s10 =	sld [smem:$0x3FBA];
	_ =	sdelay $0x3  }
0x36: {  	p1 =	seq.s32 s10, $0x1;
	s10 =	sld [smem:$0x3FBB];
	_ =	sdelay $0x3  }
0x37: {  	[smem:$0x3FBB] =	sst s10  }
0x38: {  	s10 =	sld [smem:$0x3FBC]  }
0x39: {  	_ = 	snop;
	(pc) =	sbr.ind lr, $3  }
0x3a: {  	_ = 	snop  }
0x3b: {  	_ = 	snop  }
0x3c: {  	p2 =	seq.s32 s10, $0x1;
	s10 =	sld [smem:$0x3FBB]  }
0x3d: {  	_ =	shalt  }
0x3e: {  	_ =	shalt  }
0x3f: {  	_ =	shalt  }
0x40: {  	_ =	shalt  }
0x41: {  	_ =	shalt  }
0x42: {  	_ =	shalt  }
0x43: {  	_ =	shalt  }
0x44: {  	_ =	shalt  }
0x45: {  	_ =	shalt  }
0x46: {  	_ =	shalt  }
0x47: {  	_ =	shalt  }
0x48: {  	_ =	shalt  }
0x49: {  	_ =	shalt  }
0x4a: {  	_ =	shalt  }
0x4b: {  	_ =	shalt  }
0x4c: {  	_ =	shalt  }
0x4d: {  	_ =	shalt  }
0x4e: {  	_ =	shalt  }
0x4f: {  	_ =	shalt  }
0x50: {  	_ =	shalt  }
0x51: {  	_ =	shalt  }
0x52: {  	_ =	shalt  }
0x53: {  	_ =	shalt  }
0x54: {  	_ =	shalt  }
0x55: {  	_ =	shalt  }
0x56: {  	_ =	shalt  }
0x57: {  	_ =	shalt  }
0x58: {  	_ =	shalt  }
0x59: {  	_ =	shalt  }
0x5a: {  	_ =	shalt  }
0x5b: {  	_ =	shalt  }
0x5c: {  	_ =	shalt  }
0x5d: {  	_ =	shalt  }
0x5e: {  	_ =	shalt  }
0x5f: {  	_ =	shalt  }
0x60: {  	_ =	shalt  }
0x61: {  	_ =	shalt  }
0x62: {  	_ =	shalt  }
0x63: {  	_ =	shalt  }
0x64: {  	_ =	shalt  }
0x65: {  	_ =	shalt  }
0x66: {  	_ =	shalt  }
0x67: {  	_ =	shalt  }
0x68: {  	_ =	shalt  }
0x69: {  	_ =	shalt  }
0x6a: {  	_ =	shalt  }
0x6b: {  	_ =	shalt  }
0x6c: {  	_ =	shalt  }
0x6d: {  	_ =	shalt  }
0x6e: {  	_ =	shalt  }
0x6f: {  	_ =	shalt  }
0x70: {  	_ =	shalt  }
0x71: {  	_ =	shalt  }
0x72: {  	_ =	shalt  }
0x73: {  	_ =	shalt  }
0x74: {  	_ =	shalt  }
0x75: {  	_ =	shalt  }
0x76: {  	_ =	shalt  }
0x77: {  	_ =	shalt  }
0x78: {  	_ =	shalt  }
0x79: {  	_ =	shalt  }
0x7a: {  	_ =	shalt  }
0x7b: {  	_ =	shalt  }
0x7c: {  	_ =	shalt  }
0x7d: {  	_ =	shalt  }
0x7e: {  	_ =	shalt  }
0x7f: {  	_ =	shalt  }
0x80: {  	_ =	shalt  }
0x81: {  	_ =	shalt  }
0x82: {  	_ =	shalt  }
0x83: {  	_ =	shalt  }
0x84: {  	_ =	shalt  }
0x85: {  	_ =	shalt  }
0x86: {  	_ =	shalt  }
0x87: {  	_ =	shalt  }
.Lfunc_end0:
.L_simem_size_0:
called_computation_lowered:
.L_overlay_start_0:
0x88: {  	s2 =	sld [smem:$0x3FD9]  }
0x89: {  	s3 =	sld [smem:$0x3FFE];
	_ =	sdelay $0x1  }
0x8a: {  	s1 =	srdreg.scid  }
0x8b: {  	s0 =	sand.u32 $0x1, s1  }
0x8c: {  	s18 =	sshll.u32 s0, $0xA;
	s2 =	sadd.s32 s3, s2  }
0x8d: {  	s2 =	sadd.s32 s2, s18  }
0x8e: {  	[smem:$0x3FC7] =	sst s2  }
0x8f: {  	_ = 	snop  }
0x90: {  	s2 =	sld [smem:$0x3FC9]  }
0x91: {  	s19 =	sld [smem:$0x3FD0];
	(tm) =	ssettm $0x1  }
0x92: {  	s4 =	sld [smem:$0x3FFB];
	_ =	sdelay $0x3  }
0x93: {  	_ =	strace s4  }
0x94: {  	s4 =	sld [smem:$0x3FFC];
	_ =	sdelay $0x3  }
0x95: {  	_ =	strace s4  }
0x96: {  	s4 =	sld [smem:$0x3FFD];
	_ =	sdelay $0x3  }
0x97: {  	_ =	strace s4  }
0x98: {  	_ =	strace $0x8FFFFFFF  }
0x99: {  	s20 =	sld [smem:$0x3FDB];
	_ =	sdelay $0x1  }
0x9a: {  	s5 =	simm.s32 $_scs_section_size  }
0x9b: {  	s6 =	simm.s32 $_size__tile_overlayer_lowered;
	s7 =	simm.s32 $_tile_overlayer_lowered  }
0x9c: {  	s23 =	simm.s32 $0x1BFF;
	s22 =	sshll.u32 s7, $0x1;
	s4 =	sadd.s32 s5, s20  }
0x9d: {  	s8 =	simm.s32 $0x0;
	s21 =	sshll.u32 s6, $0x1;
	s6 =	sadd.s32 s22, s4  }
0x9e: {  	[timem:s8], [sflag:s23] =	dma.local [hbm:s6], s21  }
0x9f: {  	_ =	swait.ge [sflag:s23], s21  }
0xa0: {  	s5 =	ssub.s32 $0x0, s21;
	[sflag:s23] =	ssyncset.done $0x0  }
0xa1: {  	[sflag:s23] =	ssyncadd.s32 s5;
	_ =	sdelay $0x1  }
0xa2: {  	s24 =	simm.s32 $0x1B8B  }
0xa3: {  	_ =	swait.ge [sflag:s24], $0x1  }
0xa4: {  	[sflag:s24] =	ssyncset.done $0x0  }
0xa5: {  	s25 =	simm.s32 $0x1B8E;
	[sflag:s24] =	ssyncadd.s32 $0xFFFFFFFF  }
0xa6: {  	s26 =	simm.s32 $execute0_lowered;
	[smem:$0x3FD2] =	sst s25  }
0xa7: {  	s5 =	sshll.u32 s26, $0x1;
	_ =	strace $0x80000046;
	[dreg:$0x1] =	wrdreg $0xFFFFFFFF  }
0xa8: {  	s28 =	simm.s32 $_size_execute0_lowered;
	s4 =	sadd.s32 s4, s5;
	[dreg:$0x0] =	wrdreg $0x0  }
0xa9: {  	s5 =	sshll.u32 s28, $0x1;
	[dreg:$0x2] =	wrdreg s4  }
0xaa: {  	[dreg:$0x3] =	wrdreg s5  }
0xab: {  	[dreg:$0x4] =	wrdreg $0xC0  }
0xac: {  	_ =	task [dreg:s8], $0x5FFFF  }
0xad: {  	[dreg:$0x1] =	wrdreg $0xFFFFFFFF  }
0xae: {  	[dreg:$0x0] =	wrdreg $0x60  }
0xaf: {  	[dreg:$0x2] =	wrdreg s2  }
0xb0: {  	[dreg:$0x3] =	wrdreg s19  }
0xb1: {  	[dreg:$0x4] =	wrdreg $0x9  }
0xb2: {  	_ =	task.clear_ibuf [dreg:s8], $0x5FFFF;
	_ =	strace $0x90000046  }
0xb3: {  	s29 =	simm.s32 $0x9;
	_ =	strace $0x80000048  }
0xb4: {  	_ =	swait.ge [sflag:s29], $0x1  }
0xb5: {  	[sflag:s29] =	ssyncadd.s32 $0xFFFFFFFF  }
0xb6: {  	_ =	strace $0x90000048  }
0xb7: {  	_ =	sfence  }
0xb8: {  	s30 =	sld [smem:$0x0];
	_ =	sdelay $0x2  }
0xb9: {  	s31 =	sshll.u32 s1, $0xD;
	s1 =	sshrl.u32 s1, $0x2  }
0xba: {  	s3 =	sand.u32 $0x4000, s31;
	s1 =	sadd.s32 s1, s30  }
0xbb: {  	s0 =	sor.u32 s3, s0;
	s1 =	sshll.u32 s1, $0x11  }
0xbc: {  	s0 =	sor.u32 s1, s0  }
0xbd: {  	s0 =	sadd.s32 $0x8F2B, s0  }
0xbe: {  	[sflag:s0] =	ssyncadd.remote.s32 $0x1  }
0xbf: {  	_ =	sfence.sel $0xFFFF  }
0xc0: {  	[dreg:$0x0] =	wrdreg $0xFFFFFFFF;
	(pc) =	sbr.abs _section_cstart, $3  }
0xc1: {  	[dreg:$0x1] =	wrdreg $0xFFFFFFFF  }
0xc2: {  	_ =	task.clear_ibuf [dreg:s8], $0x2FFFF;
	_ =	strace $0x9FFFFFFF  }
0xc3: {  	(tm) =	ssettm $0x7FFFFFFF  }
tec
execute0_lowered:
.L_overlay_start_1:
0x0: {  	(tag) =	ssettag $0x1  }
0x1: {  	s8 =	rddreg [dreg:$0x0]  }
0x2: {  	s10 =	rddreg [dreg:$0x1];
	s2 =	srdreg.scid  }
0x3: {  	s0 =	rddreg [dreg:$0x2];
	s1 =	stileid.u32;
	s13 =	simm.s32 $0x400  }
0x4: {  	s14 =	simm.s32 $0x8000;
	s15 =	simm.s32 $0x1;
	s16 =	simm.s32 $0x10000  }
0x5: {  	s17 =	simm.s32 $0x2;
	s18 =	simm.s32 $0x3;
	s19 =	simm.s32 $0x4  }
0x6: {  	s20 =	simm.s32 $0x0;
	s3 =	sand.u32 $0x1, s2;
	s2 =	simm.s32 $0x0  }
0x7: {  	s4 =	sshll.u32 s1, $0xF;
	s5 =	sshll.u32 s3, $0x6;
	s3 =	ssub.s32 $0x2, s3  }
0x8: {  	[smem:$0x7FF] =	sst s2;
	s6 =	sor.u32 s5, s4;
	s31 =	sshrl.u32 s3, $0x1  }
0x9: {  	_ =	strace $0x80000047;
	s7 =	sor.u32 $0x10, s6;
	s11 =	ssub.s32 s3, s31  }
0xa: {  	s3 =	sadd.s32 s8, s6;
	s5 =	sadd.s32 s10, s6;
	s9 =	sor.u32 $0x20, s6  }
0xb: {  	s12 =	sor.u32 $0x30, s6;
	s4 =	sadd.s32 s8, s7;
	s6 =	sadd.s32 s8, s9  }
0xc: {  	s7 =	sadd.s32 s10, s7;
	s8 =	sadd.s32 s8, s12;
	s9 =	sadd.s32 s10, s9  }
0xd: {  	v0 =	vlaneseq.u32;
	v1 =	vimm.s32 $0x0;
	s10 =	sadd.s32 s10, s12;
	s11 =	smax.u32 s11, $0x1;
	s12 =	simm.s32 $0x80  }
.LBB2_1:
0xe: {  	[tilespmem:s2], [sflag:$0x1] =	stream.strided.gather [hbm4b:s3+s12], $0x8000, s13, s12, $0x38;
	[tilespmem:$0x18080] =	vst v63  }
0xf: {  	_ = 	snop  }
0x10: {  	[tilespmem:s14], [sflag:$0x2] =	stream.strided.gather [hbm4b:s4+s12], $0x8000, s13, s12, $0x38;
	[tilespmem:$0x18080] =	vst v63  }
0x11: {  	_ =	swait.ge [sflag:s15], $0x8000  }
0x12: {  	[sflag:s15] =	ssyncset.done $0x0  }
0x13: {  	s22 =	simm.s32 $0x40;
	[sflag:s15] =	ssyncadd.s32 $0xFFFF8000  }
0x14: {  	v4 =	vld [tilespmem:s22+$0xFFFFFFC0]  }
0x15: {  	v5 =	vld [tilespmem:s22+$0xFFFFFFD0]  }
0x16: {  	v6 =	vld [tilespmem:s22+$0xFFFFFFE0]  }
0x17: {  	v2 =	vld [tilespmem:s22+$0xFFFFFFF0]  }
0x18: {  	v7 =	vimm.f32 $-3.000000010e+38;
	v3 =	vld [tilespmem:s22+$0x0]  }
0x19: {  	v7 =	vmax.f32 v7, v4;
	v4 =	vld [tilespmem:s22+$0x10]  }
0x1a: {  	v7 =	vmax.f32 v7, v5;
	v5 =	vld [tilespmem:s22+$0x20]  }
0x1b: {  	s21 =	simm.s32 $0x0;
	v7 =	vmax.f32 v7, v6;
	v6 =	vld [tilespmem:s22+$0x30];
	s22 =	simm.s32 $0xC0  }
.LBB2_2:
0x1c: {  	v8 =	vld [tilespmem:s22+$0xFFFFFFC0];
	s21 =	sadd.s32 $0x8, s21;
	v2 =	vmax.f32 v7, v2  }
0x1d: {  	v7 =	vld [tilespmem:s22+$0xFFFFFFD0];
	p0 =	slt.u32 s21, $0x7F8;
	v2 =	vmax.f32 v2, v3  }
0x1e: {  	v9 =	vld [tilespmem:s22+$0xFFFFFFE0];
	v3 =	vmax.f32 v2, v4  }
.Ltmp0:
0x1f: {  	v2 =	vld [tilespmem:s22+$0xFFFFFFF0];
	v4 =	vmax.f32 v3, v5;
	(pc) =	sbr.rel @p0 .LBB2_2-.Ltmp0, $4  }
0x20: {  	v3 =	vld [tilespmem:s22+$0x0];
	v4 =	vmax.f32 v4, v6  }
0x21: {  	v5 =	vmax.f32 v4, v8;
	v4 =	vld [tilespmem:s22+$0x10]  }
0x22: {  	v6 =	vmax.f32 v5, v7;
	v5 =	vld [tilespmem:s22+$0x20]  }
0x23: {  	v7 =	vmax.f32 v6, v9;
	v6 =	vld [tilespmem:s22+$0x30];
	s22 =	sadd.s32 $0x80, s22  }
0x24: {  	v2 =	vmax.f32 v7, v2  }
0x25: {  	v2 =	vmax.f32 v2, v3  }
0x26: {  	v2 =	vmax.f32 v2, v4  }
0x27: {  	v2 =	vmax.f32 v2, v5  }
0x28: {  	v2 =	vmax.f32 v2, v6  }
0x29: {  	(xrf0) =	vmax.scan.msk.f32 $0xffff, v2;
	_ =	sdelay $0x5  }
0x2a: {  	v2, _, _ =	vpop (xrf0)  }
0x2b: {  	(v2sf) =	vpush v2, $0xF;
	_ =	sdelay $0x8  }
0x2c: {  	s23 =	simm.s32 $0x40  }
0x2d: {  	v20 =	vld [tilespmem:s23+$0x10]  }
0x2e: {  	v14 =	vld [tilespmem:s23+$0xFFFFFFC0]  }
0x2f: {  	v15 =	vld [tilespmem:s23+$0xFFFFFFD0]  }
0x30: {  	v16 =	vld [tilespmem:s23+$0xFFFFFFE0]  }
0x31: {  	v17 =	vld [tilespmem:s23+$0xFFFFFFF0]  }
0x32: {  	v19 =	vld [tilespmem:s23+$0x0];
	s22 =	spop (v2sf)  }
0x33: {  	v2 =	vld [tilespmem:s23+$0x20];
	s21 =	sadd.f32 $-1.000000000e+00, s22  }
0x34: {  	v3 =	vimm.s32 $0x0  }
0x35: {  	(v2sf) =	vpush v3, $0x0;
	v4 =	vmov s21  }
0x36: {  	vm0 =	vgt.f32 v14, v4;
	vm1 =	vgt.f32 v15, v4;
	vm2 =	vgt.f32 v16, v4  }
0x37: {  	vm3 =	vgt.f32 v20, v4;
	vm5 =	vgt.f32 v17, v4;
	v5 =	vmpcnt.ones.xlane vm0  }
0x38: {  	vm8 =	vgt.f32 v19, v4;
	vm10 =	vgt.f32 v2, v4;
	v6 =	vmpcnt.ones.xlane vm1  }
0x39: {  	v7 =	vmpcnt.ones.xlane vm2;
	v8 =	vmpcnt.ones.xlane vm5;
	v5 =	vadd.s32 v3, v5  }
0x3a: {  	v9 =	vmpcnt.ones.xlane vm3;
	v3 =	vld [tilespmem:s23+$0x30];
	v6 =	vadd.s32 v5, v6;
	(v2sf) =	vpush v5, $0x0  }
0x3b: {  	s26 =	simm.s32 $0xC0;
	v10 =	vmpcnt.ones.xlane vm10;
	v5 =	vadd.s32 v6, v7;
	(v2sf) =	vpush v6, $0x0  }
0x3c: {  	v12 =	vld [tilespmem:s26+$0x20];
	v7 =	vadd.s32 v5, v8;
	v8 =	vmpcnt.ones.xlane vm8;
	(v2sf) =	vpush v5, $0x0  }
0x3d: {  	vm14 =	vmmov vm0;
	vm6 =	vmmov vm1;
	v6 =	vld [tilespmem:s26+$0xFFFFFFC0];
	(v2sf) =	vpush v7, $0x0  }
0x3e: {  	vm13 =	vmmov vm2;
	vm4 =	vmmov vm3;
	v5 =	vld [tilespmem:s26+$0x10];
	v7 =	vadd.s32 v7, v8  }
0x3f: {  	vm15 =	vgt.f32 v3, v4;
	v8 =	vld [tilespmem:s26+$0xFFFFFFD0];
	v9 =	vadd.s32 v7, v9;
	(v2sf) =	vpush v7, $0x0  }
0x40: {  	v11 =	vmpcnt.ones.xlane vm15;
	v7 =	vadd.s32 v9, v10;
	(v2sf) =	vpush v9, $0x0;
	v9 =	vld [tilespmem:s26+$0xFFFFFFE0]  }
0x41: {  	vm9 =	vmmov vm5;
	vm12 =	vmmov vm8;
	vm1 =	vmmov vm10;
	v10 =	vld [tilespmem:s26+$0xFFFFFFF0]  }
0x42: {  	vm7 =	vgt.f32 v6, v4;
	v13 =	vadd.s32 v7, v11;
	(v2sf) =	vpush v7, $0x0;
	v11 =	vld [tilespmem:s26+$0x0]  }
0x43: {  	vm5 =	vgt.f32 v12, v4;
	v7 =	vmpcnt.ones.xlane vm7;
	(v2sf) =	vpush v13, $0x0  }
0x44: {  	v62 =	vmpcnt.ones.xlane vm5;
	vm10 =	vgt.f32 v5, v4;
	vm11 =	vgt.f32 v8, v4  }
0x45: {  	v7 =	vadd.s32 v13, v7;
	v13 =	vld [tilespmem:s26+$0x30];
	v18 =	vmpcnt.ones.xlane vm11;
	vm8 =	vgt.f32 v9, v4  }
0x46: {  	(v2sf) =	vpush v7, $0x0;
	vm2 =	vgt.f32 v10, v4;
	v21 =	vmpcnt.ones.xlane vm8  }
0x47: {  	v18 =	vadd.s32 v7, v18;
	v22 =	vmpcnt.ones.xlane vm2;
	vm3 =	vgt.f32 v11, v4  }
0x48: {  	s24 =	spop (v2sf);
	(v2sf) =	vpush v18, $0x0;
	v61 =	vmpcnt.ones.xlane vm3;
	v7 =	vadd.s32 v18, v21  }
0x49: {  	[tilespmem:s24+$0x10000] =	vst.msk vm14, v14;
	s23 =	simm.s32 $0x140;
	v23 =	vmpcnt.ones.xlane vm10;
	v21 =	vadd.s32 v7, v22;
	(v2sf) =	vpush v7, $0x0;
	s28 =	spop (v2sf)  }
0x4a: {  	v14 =	vld [tilespmem:s23+$0xFFFFFFD0];
	(v2sf) =	vpush v21, $0x0;
	[tilespmem:s28+$0x10000] =	vst.msk vm6, v15;
	s29 =	spop (v2sf);
	v15 =	vadd.s32 v21, v61;
	vm6 =	vgt.f32 v13, v4  }
0x4b: {  	v18 =	vld [tilespmem:s23+$0xFFFFFFC0];
	[tilespmem:s29+$0x10000] =	vst.msk vm13, v16;
	s30 =	spop (v2sf);
	v16 =	vadd.s32 v15, v23;
	v63 =	vmpcnt.ones.xlane vm6;
	(v2sf) =	vpush v15, $0x0  }
0x4c: {  	v7 =	vld [tilespmem:s23+$0x10];
	s31 =	spop (v2sf);
	v21 =	vadd.s32 v16, v62;
	(v2sf) =	vpush v16, $0x0  }
0x4d: {  	v15 =	vld [tilespmem:s23+$0xFFFFFFE0];
	[tilespmem:s31+$0x10000] =	vst.msk vm12, v19;
	v19 =	vadd.s32 v21, v63;
	(v2sf) =	vpush v21, $0x0  }
0x4e: {  	vm0 =	vmmov vm15;
	vm8 =	vmmov vm8;
	[tilespmem:s30+$0x10000] =	vst.msk vm9, v17;
	v17 =	vld [tilespmem:s23+$0xFFFFFFF0];
	s26 =	spop (v2sf);
	(v2sf) =	vpush v19, $0x0  }
0x4f: {  	s25 =	simm.s32 $0x1C0;
	s24 =	simm.s32 $0x10;
	vm9 =	vmmov vm7;
	vm7 =	vmmov vm11;
	v16 =	vld [tilespmem:s23+$0x0];
	[tilespmem:s26+$0x10000] =	vst.msk vm4, v20;
	s26 =	spop (v2sf);
	vm4 =	vmmov vm10  }
.LBB2_4:
0x50: {  	vm10 =	vgt.f32 v18, v4  }
0x51: {  	v20 =	vld [tilespmem:s25+$0x10];
	s24 =	sadd.s32 $0x8, s24;
	[tilespmem:s26+$0x10000] =	vst.msk vm1, v2;
	s26 =	spop (v2sf);
	v2 =	vmovc v12;
	vm15 =	vmmov vm2;
	vm14 =	vmmov vm3;
	vm1 =	vmmov vm5  }
0x52: {  	p0 =	slt.u32 s24, $0x7F8;
	v21 =	vmpcnt.ones.xlane vm10;
	vm13 =	vgt.f32 v14, v4;
	v12 =	vld [tilespmem:s23+$0x20];
	s28 =	spop (v2sf);
	[tilespmem:s26+$0x10000] =	vst.msk vm0, v3;
	v3 =	vmovc v13;
	vm0 =	vmmov vm6  }
0x53: {  	vm12 =	vgt.f32 v7, v4;
	v22 =	vmpcnt.ones.xlane vm13;
	vm11 =	vgt.f32 v15, v4;
	[tilespmem:s28+$0x10000] =	vst.msk vm9, v6;
	v6 =	vmovc v18  }
0x54: {  	v18 =	vadd.s32 v19, v21;
	v19 =	vmpcnt.ones.xlane vm11;
	vm2 =	vgt.f32 v17, v4;
	v13 =	vld [tilespmem:s23+$0x30];
	s23 =	smov.u32 s25  }
0x55: {  	v21 =	vadd.s32 v18, v22;
	v22 =	vmpcnt.ones.xlane vm2;
	(v2sf) =	vpush v18, $0x0  }
0x56: {  	vm3 =	vgt.f32 v16, v4;
	v18 =	vadd.s32 v21, v19;
	(v2sf) =	vpush v21, $0x0  }
0x57: {  	v21 =	vmpcnt.ones.xlane vm3;
	v19 =	vadd.s32 v18, v22;
	(v2sf) =	vpush v18, $0x0;
	s26 =	spop (v2sf)  }
0x58: {  	v22 =	vmpcnt.ones.xlane vm12;
	vm5 =	vgt.f32 v12, v4;
	(v2sf) =	vpush v19, $0x0;
	[tilespmem:s26+$0x10000] =	vst.msk vm7, v8;
	s26 =	spop (v2sf);
	v8 =	vmovc v14  }
.Ltmp1:
0x59: {  	v19 =	vadd.s32 v19, v21;
	v21 =	vmpcnt.ones.xlane vm5;
	v18 =	vld [tilespmem:s25+$0xFFFFFFC0];
	vm6 =	vgt.f32 v13, v4;
	[tilespmem:s26+$0x10000] =	vst.msk vm8, v9;
	s26 =	spop (v2sf);
	v9 =	vmovc v15;
	(pc) =	sbr.rel @p0 .LBB2_4-.Ltmp1, $4  }
0x5a: {  	v22 =	vadd.s32 v19, v22;
	v14 =	vld [tilespmem:s25+$0xFFFFFFD0];
	v23 =	vmpcnt.ones.xlane vm6;
	(v2sf) =	vpush v19, $0x0;
	[tilespmem:s26+$0x10000] =	vst.msk vm15, v10;
	s26 =	spop (v2sf);
	v10 =	vmovc v17  }
0x5b: {  	vm9 =	vmmov vm10;
	v21 =	vadd.s32 v22, v21;
	v15 =	vld [tilespmem:s25+$0xFFFFFFE0];
	(v2sf) =	vpush v22, $0x0;
	[tilespmem:s26+$0x10000] =	vst.msk vm14, v11;
	v11 =	vmovc v16  }
0x5c: {  	vm7 =	vmmov vm13;
	v17 =	vld [tilespmem:s25+$0xFFFFFFF0];
	v19 =	vadd.s32 v21, v23;
	(v2sf) =	vpush v21, $0x0;
	s26 =	spop (v2sf)  }
0x5d: {  	vm8 =	vmmov vm11;
	s25 =	sadd.s32 $0x80, s25;
	v16 =	vld [tilespmem:s23+$0x0];
	(v2sf) =	vpush v19, $0x0;
	[tilespmem:s26+$0x10000] =	vst.msk vm4, v5;
	s26 =	spop (v2sf);
	v5 =	vmovc v7;
	v7 =	vmovc v20;
	vm4 =	vmmov vm12  }
0x5e: {  	vm13 =	vgt.f32 v18, v4  }
0x5f: {  	v21 =	vimm.s32 $0x0;
	v23 =	vimm.s32 $0x0;
	vm10 =	vgt.f32 v14, v4  }
0x60: {  	v21 =	vsel vm10, $0xFFFFFFFF, v21;
	v22 =	vmpcnt.ones.xlane vm10;
	vm10 =	vgt.f32 v7, v4  }
0x61: {  	v20 =	vmpcnt.ones.xlane vm13;
	[tilespmem:$0x1FFE0] =	vst v21;
	v23 =	vsel vm10, $0xFFFFFFFF, v23  }
0x62: {  	vm14 =	vgt.f32 v15, v4;
	v21 =	vld [tilespmem:s23+$0x20];
	[tilespmem:$0x1FFF0] =	vst v23  }
0x63: {  	v19 =	vadd.s32 v19, v20;
	v56 =	vmpcnt.ones.xlane vm14;
	vm15 =	vgt.f32 v17, v4;
	v23 =	vld [tilespmem:s23+$0x30]  }
0x64: {  	v22 =	vadd.s32 v19, v22;
	(v2sf) =	vpush v19, $0x0;
	v57 =	vmpcnt.ones.xlane vm15  }
0x65: {  	vm11 =	vgt.f32 v16, v4;
	v20 =	vadd.s32 v22, v56;
	(v2sf) =	vpush v22, $0x0  }
0x66: {  	s31 =	spop (v2sf);
	v58 =	vmpcnt.ones.xlane vm11;
	[tilespmem:s26+$0x10000] =	vst.msk vm1, v2;
	v19 =	vadd.s32 v20, v57;
	(v2sf) =	vpush v20, $0x0  }
0x67: {  	s24 =	spop (v2sf);
	v59 =	vmpcnt.ones.xlane vm10;
	[tilespmem:s31+$0x10000] =	vst.msk vm0, v3;
	(v2sf) =	vpush v19, $0x0;
	vm12 =	vgt.f32 v21, v4  }
0x68: {  	[tilespmem:s24+$0x10000] =	vst.msk vm9, v6;
	s25 =	spop (v2sf);
	v19 =	vadd.s32 v19, v58;
	v60 =	vmpcnt.ones.xlane vm12;
	vm10 =	vgt.f32 v23, v4  }
0x69: {  	s28 =	spop (v2sf);
	[tilespmem:s25+$0x10000] =	vst.msk vm7, v8;
	v61 =	vadd.s32 v19, v59;
	(v2sf) =	vpush v19, $0x0;
	v62 =	vmpcnt.ones.xlane vm10  }
0x6a: {  	vm7 =	vmmov vm2;
	s29 =	spop (v2sf);
	[tilespmem:s28+$0x10000] =	vst.msk vm8, v9;
	(v2sf) =	vpush v61, $0x0;
	v20 =	vadd.s32 v61, v60  }
0x6b: {  	vm8 =	vmmov vm3;
	s30 =	spop (v2sf);
	[tilespmem:s29+$0x10000] =	vst.msk vm7, v10;
	v63 =	vadd.s32 v20, v62;
	(v2sf) =	vpush v20, $0x0  }
0x6c: {  	[tilespmem:s30+$0x10000] =	vst.msk vm8, v11;
	s26 =	spop (v2sf);
	(v2sf) =	vpush v63, $0x0  }
0x6d: {  	vm9 =	vmmov vm5;
	s23 =	spop (v2sf);
	[tilespmem:s26+$0x10000] =	vst.msk vm4, v5  }
0x6e: {  	vm5 =	vmmov vm6;
	s24 =	spop (v2sf);
	[tilespmem:s23+$0x10000] =	vst.msk vm9, v12  }
0x6f: {  	[tilespmem:s24+$0x10000] =	vst.msk vm5, v13  }
0x70: {  	v2 =	vld [tilespmem:$0x1FFE0];
	_ =	sdelay $0x2  }
0x71: {  	s25 =	spop (v2sf)  }
0x72: {  	vm6 =	vmmov vm13;
	s28 =	spop (v2sf)  }
0x73: {  	vm8 =	vmmov vm14;
	[tilespmem:s25+$0x10000] =	vst.msk vm6, v18;
	s31 =	spop (v2sf);
	vm7 =	vnez.u8 v2  }
0x74: {  	s30 =	spop (v2sf);
	vm1 =	vmmov vm7;
	[tilespmem:s31+$0x10000] =	vst.msk vm8, v15  }
0x75: {  	vm9 =	vmmov vm15;
	s26 =	spop (v2sf);
	[tilespmem:s28+$0x10000] =	vst.msk vm1, v14  }
0x76: {  	[tilespmem:s30+$0x10000] =	vst.msk vm9, v17;
	s23 =	spop (v2sf)  }
0x77: {  	v3 =	vld [tilespmem:$0x1FFF0];
	s24 =	spop (v2sf)  }
0x78: {  	s25 =	spop (v2sf)  }
0x79: {  	v2 =	vbroadcast v63, $0x0;
	s28 =	spop (v2sf)  }
0x7a: {  	s31 =	sand.u32 $0xF, s28;
	s30 =	sshra.s32 s28, $0x1F  }
0x7b: {  	vm11 =	vmmov vm11;
	v2 =	vadd.s32 v0, v2;
	p1 =	slt.s32 s28, $0x1;
	p0 =	sne.s32 s31, $0x0;
	s31 =	sadd.f32 $-2.000000000e+00, s22  }
.Ltmp2:
0x7c: {  	vm14 =	vmmov vm12;
	[tilespmem:s26+$0x10000] =	vst.msk vm11, v16;
	vm13 =	vnez.u8 v3;
	s29 =	sshrl.u32 s30, $0x1C;
	p0 =	por !p1, !p0;
	(pc) =	sbr.rel .LBB2_6-.Ltmp2, $4  }
0x7d: {  	[tilespmem:s24+$0x10000] =	vst.msk vm14, v21;
	vm1 =	vmmov vm13;
	s30 =	sadd.s32 s29, s28;
	s28 =	simm.s32 $0x1;
	p0 =	por !p0, !p0  }
0x7e: {  	vm15 =	vmmov vm10;
	[tilespmem:s23+$0x10000] =	vst.msk vm1, v7;
	s23 =	sshra.s32 s30, $0x4;
	s28 =	simm.s32 @!p0 $0x0  }
0x7f: {  	[tilespmem:s25+$0x10000] =	vst.msk vm15, v23;
	v3 =	vmov s31;
	s31 =	ssub.s32 s23, s28  }
0x80: {  	s24 =	simm.s32 $0x0;
	[tilespmem:v2+s16+$0x0] =	vst.idx.msk $0xffff, v3;
	s23 =	sadd.s32 $0x1, s31;
	p0 =	slt.s32 s31, $0x0  }
.LBB2_7:
0x81: {  	v2 =	vimm.f32 $0.0e+00  }
.LBB2_13:
0x82: {  	(xrf2) =	vadd.scan.msk.f32 $0xffff, v2;
	_ =	sdelay $0x9  }
0x83: {  	v2, _, _ =	vpop (xrf2)  }
0x84: {  	(v2sf) =	vpush v2, $0xF;
	_ =	sdelay $0xe  }
0x85: {  	s26 =	spop (v2sf)  }
0x86: {  	p1 =	sge.f32 s26, $1.000000000e+00  }
0x87: {  	s24 =	sadd.s32 $0x1, s24  }
0x88: {  	s21 =	smov.u32 @p1 s25;
	s25 =	smov.u32 @p1 s22;
	p1 =	seq.s32 s24, $0x10  }
.Ltmp3:
0x89: {  	_ = 	snop;
	(pc) =	sbr.rel @p1 .LBB2_8-.Ltmp3, $2  }
0x8a: {  	_ =	sdelay $0x2  }
0x8b: {  	s22 =	smov.u32 s25  }
.LBB2_6:
.Ltmp4:
0x8c: {  	(pc) =	sbr.rel @p0 .LBB2_7-.Ltmp4, $3  }
0x8d: {  	_ = 	snop  }
0x8e: {  	s25 =	sadd.f32 s22, s21;
	_ =	sdelay $0x1  }
0x8f: {  	s25 =	smul.f32 $5.000000000e-01, s25  }
0x90: {  	s26 =	simm.s32 $0x10000  }
0x91: {  	p1 =	sne.s32 s23, $0x1;
	v4 =	vld [tilespmem:s26+$0x0]  }
.Ltmp5:
0x92: {  	_ = 	snop;
	(pc) =	sbr.rel @!p1 .LBB2_12-.Ltmp5, $3  }
0x93: {  	_ =	sdelay $0x1  }
0x94: {  	v3 =	vmov s25  }
0x95: {  	v2 =	vimm.f32 $0.0e+00;
	s28 =	simm.s32 $0x10010;
	s26 =	sadd.s32 $0xFFFFFFFF, s23;
	v4 =	vsub.f32 v4, v3  }
.LBB2_11:
0x96: {  	v5 =	vld [tilespmem:s28+$0x0];
	p1 =	sne.s32 s26, $0x1;
	s26 =	sadd.s32 $0xFFFFFFFF, s26  }
.Ltmp6:
0x97: {  	v4 =	vmax.f32 v4, $0.0e+00;
	(pc) =	sbr.rel @p1 .LBB2_11-.Ltmp6, $2  }
0x98: {  	v2 =	vadd.f32 v4, v2;
	_ =	sdelay $0x2  }
0x99: {  	s28 =	sadd.s32 $0x10, s28;
	v4 =	vsub.f32 v5, v3  }
.LBB2_12:
.Ltmp7:
0x9a: {  	(pc) =	sbr.rel .LBB2_13-.Ltmp7, $3  }
0x9b: {  	_ = 	snop  }
0x9c: {  	v3 =	vmax.f32 v4, $0.0e+00  }
0x9d: {  	v2 =	vadd.f32 v3, v2;
	_ =	sdelay $0x1  }
.LBB2_8:
.Ltmp8:
0x9e: {  	(pc) =	sbr.rel @p0 .LBB2_9-.Ltmp8, $1  }
0x9f: {  	_ =	sdelay $0x3  }
0xa0: {  	s31 =	simm.s32 $0x10000  }
0xa1: {  	p0 =	sne.s32 s23, $0x1;
	v4 =	vld [tilespmem:s31+$0x0]  }
.Ltmp9:
0xa2: {  	_ = 	snop;
	(pc) =	sbr.rel @!p0 .LBB2_16-.Ltmp9, $3  }
0xa3: {  	_ =	sdelay $0x1  }
0xa4: {  	v3 =	vmov s21  }
0xa5: {  	v2 =	vimm.f32 $0.0e+00;
	s21 =	sadd.s32 $0xFFFFFFFF, s23;
	s22 =	simm.s32 $0x10010;
	v5 =	vimm.f32 $0.0e+00;
	vm0 =	vgt.f32 v4, v3  }
.LBB2_15:
0xa6: {  	p0 =	sne.s32 s21, $0x1;
	s21 =	sadd.s32 $0xFFFFFFFF, s21;
	v6 =	vsel vm0, $0x3F800000, v1;
	v7 =	vnsel vm0, $0x0, v4;
	v4 =	vld [tilespmem:s22+$0x0]  }
.Ltmp10:
0xa7: {  	v2 =	vadd.f32 v6, v2;
	v5 =	vadd.f32 v7, v5;
	(pc) =	sbr.rel @p0 .LBB2_15-.Ltmp10, $2  }
0xa8: {  	_ =	sdelay $0x2  }
0xa9: {  	s22 =	sadd.s32 $0x10, s22;
	vm0 =	vgt.f32 v4, v3  }
.LBB2_16:
.Ltmp11:
0xaa: {  	(pc) =	sbr.rel .LBB2_17-.Ltmp11, $3  }
0xab: {  	_ =	sdelay $0x1  }
0xac: {  	v3 =	vsel vm0, $0x3F800000, v1;
	v4 =	vnsel vm0, $0x0, v4  }
0xad: {  	v2 =	vadd.f32 v3, v2;
	v3 =	vadd.f32 v4, v5  }
.LBB2_9:
0xae: {  	v2 =	vimm.f32 $0.0e+00;
	v3 =	vimm.f32 $0.0e+00  }
.LBB2_17:
0xaf: {  	_ = 	snop  }
0xb0: {  	(xrf2) =	vadd.scan.msk.f32 $0xffff, v3  }
0xb1: {  	(xrf2) =	vadd.scan.msk.f32 $0xffff, v2;
	_ =	sdelay $0x8  }
0xb2: {  	v2, _, _ =	vpop (xrf2)  }
0xb3: {  	v3, _, _ =	vpop (xrf2)  }
0xb4: {  	v3 =	vbroadcast v3, $0xF;
	_ =	sdelay $0x1  }
0xb5: {  	(erf) = vrcp.f32 v3;
	_ =	sdelay $0x5  }
0xb6: {  	s21 =	simm.s32 $0x40;
	v2 =	vadd.f32 $-1.000000000e+00, v2  }
0xb7: {  	v4 =	vld [tilespmem:s21+$0x30]  }
0xb8: {  	v6 =	vld [tilespmem:s21+$0xFFFFFFD0];
	v2 =	vbroadcast v2, $0xF  }
0xb9: {  	v8 =	vld [tilespmem:s21+$0xFFFFFFE0];
	v3 =	vpop (erf)  }
0xba: {  	v7 =	vld [tilespmem:s21+$0xFFFFFFF0];
	v2 =	vmul.f32 v2, v3  }
0xbb: {  	v5 =	vld [tilespmem:s21+$0x0]  }
0xbc: {  	v3 =	vld [tilespmem:s21+$0x10];
	v10 =	vsub.f32 v4, v2  }
0xbd: {  	v4 =	vld [tilespmem:s21+$0x20];
	v9 =	vsub.f32 v6, v2  }
0xbe: {  	s22 =	simm.s32 $0x0;
	s23 =	simm.s32 $0xC0;
	v6 =	vld [tilespmem:s21+$0xFFFFFFC0];
	v8 =	vsub.f32 v8, v2;
	v10 =	vmax.f32 v10, $0.0e+00  }
.LBB2_18:
0xbf: {  	v11 =	vld [tilespmem:s23+$0x30];
	s22 =	sadd.s32 $0x8, s22;
	v9 =	vmax.f32 v9, $0.0e+00;
	v7 =	vsub.f32 v7, v2;
	[tilespmem:s21+$0x30] =	vst v10  }
0xc0: {  	v10 =	vld [tilespmem:s23+$0xFFFFFFD0];
	p0 =	slt.u32 s22, $0x7F8;
	[tilespmem:s21+$0xFFFFFFD0] =	vst v9;
	v8 =	vmax.f32 v8, $0.0e+00;
	v5 =	vsub.f32 v5, v2  }
0xc1: {  	v12 =	vld [tilespmem:s23+$0xFFFFFFE0];
	[tilespmem:s21+$0xFFFFFFE0] =	vst v8;
	v8 =	vmax.f32 v7, $0.0e+00;
	v3 =	vsub.f32 v3, v2  }
.Ltmp12:
0xc2: {  	v7 =	vld [tilespmem:s23+$0xFFFFFFF0];
	[tilespmem:s21+$0xFFFFFFF0] =	vst v8;
	v8 =	vmax.f32 v5, $0.0e+00;
	v4 =	vsub.f32 v4, v2;
	(pc) =	sbr.rel @p0 .LBB2_18-.Ltmp12, $4  }
0xc3: {  	v5 =	vld [tilespmem:s23+$0x0];
	v6 =	vsub.f32 v6, v2;
	[tilespmem:s21+$0x0] =	vst v8;
	v8 =	vmax.f32 v3, $0.0e+00  }
0xc4: {  	v3 =	vld [tilespmem:s23+$0x10];
	v11 =	vsub.f32 v11, v2;
	[tilespmem:s21+$0x10] =	vst v8;
	v8 =	vmax.f32 v4, $0.0e+00  }
0xc5: {  	v9 =	vsub.f32 v10, v2;
	v4 =	vld [tilespmem:s23+$0x20];
	v13 =	vmax.f32 v6, $0.0e+00;
	[tilespmem:s21+$0x20] =	vst v8  }
0xc6: {  	v6 =	vld [tilespmem:s23+$0xFFFFFFC0];
	v8 =	vsub.f32 v12, v2;
	v10 =	vmax.f32 v11, $0.0e+00;
	[tilespmem:s21+$0xFFFFFFC0] =	vst v13;
	s21 =	smov.u32 s23;
	s23 =	sadd.s32 $0x80, s23  }
0xc7: {  	v9 =	vmax.f32 v9, $0.0e+00;
	v7 =	vsub.f32 v7, v2;
	[tilespmem:s21+$0x30] =	vst v10  }
0xc8: {  	[tilespmem:s21+$0xFFFFFFD0] =	vst v9;
	v8 =	vmax.f32 v8, $0.0e+00;
	v5 =	vsub.f32 v5, v2  }
0xc9: {  	[tilespmem:s21+$0xFFFFFFE0] =	vst v8;
	v7 =	vmax.f32 v7, $0.0e+00;
	v3 =	vsub.f32 v3, v2  }
0xca: {  	[tilespmem:s21+$0xFFFFFFF0] =	vst v7;
	v5 =	vmax.f32 v5, $0.0e+00;
	v4 =	vsub.f32 v4, v2  }
0xcb: {  	v2 =	vsub.f32 v6, v2;
	[tilespmem:s21+$0x0] =	vst v5;
	v3 =	vmax.f32 v3, $0.0e+00  }
0xcc: {  	[tilespmem:s21+$0x10] =	vst v3;
	v3 =	vmax.f32 v4, $0.0e+00  }
0xcd: {  	v2 =	vmax.f32 v2, $0.0e+00;
	[tilespmem:s21+$0x20] =	vst v3  }
0xce: {  	[tilespmem:s21+$0xFFFFFFC0] =	vst v2  }
0xcf: {  	[hbm4b:s5+s12] =	stream.strided.scatter [tilespmem:s2], [sflag:$0x3], $0x8000, s13, s12, $0x38;
	[tilespmem:$0x18080] =	vst v63  }
0xd0: {  	_ =	swait.ge [sflag:s17], $0x8000  }
0xd1: {  	[sflag:s17] =	ssyncset.done $0x0  }
0xd2: {  	[sflag:s17] =	ssyncadd.s32 $0xFFFF8000  }
0xd3: {  	_ =	swait.ge [sflag:s18], $0x8000  }
0xd4: {  	[sflag:s18] =	ssyncset.done $0x0  }
0xd5: {  	s22 =	simm.s32 $0x8040;
	[sflag:s18] =	ssyncadd.s32 $0xFFFF8000  }
0xd6: {  	[tilespmem:s2], [sflag:$0x1] =	stream.strided.gather [hbm4b:s6+s12], $0x8000, s13, s12, $0x38;
	[tilespmem:$0x18080] =	vst v63  }
0xd7: {  	v4 =	vld [tilespmem:s22+$0xFFFFFFC0]  }
0xd8: {  	v5 =	vld [tilespmem:s22+$0xFFFFFFD0]  }
0xd9: {  	v6 =	vld [tilespmem:s22+$0xFFFFFFE0]  }
0xda: {  	v2 =	vld [tilespmem:s22+$0xFFFFFFF0]  }
0xdb: {  	v7 =	vimm.f32 $-3.000000010e+38;
	v3 =	vld [tilespmem:s22+$0x0]  }
0xdc: {  	v7 =	vmax.f32 v7, v4;
	v4 =	vld [tilespmem:s22+$0x10]  }
0xdd: {  	v7 =	vmax.f32 v7, v5;
	v5 =	vld [tilespmem:s22+$0x20]  }
0xde: {  	s21 =	simm.s32 $0x0;
	v7 =	vmax.f32 v7, v6;
	v6 =	vld [tilespmem:s22+$0x30];
	s22 =	simm.s32 $0x80C0  }
.LBB2_20:
0xdf: {  	v8 =	vld [tilespmem:s22+$0xFFFFFFC0];
	s21 =	sadd.s32 $0x8, s21;
	v2 =	vmax.f32 v7, v2  }
0xe0: {  	v7 =	vld [tilespmem:s22+$0xFFFFFFD0];
	p0 =	slt.u32 s21, $0x7F8;
	v2 =	vmax.f32 v2, v3  }
0xe1: {  	v9 =	vld [tilespmem:s22+$0xFFFFFFE0];
	v3 =	vmax.f32 v2, v4  }
.Ltmp13:
0xe2: {  	v2 =	vld [tilespmem:s22+$0xFFFFFFF0];
	v4 =	vmax.f32 v3, v5;
	(pc) =	sbr.rel @p0 .LBB2_20-.Ltmp13, $4  }
0xe3: {  	v3 =	vld [tilespmem:s22+$0x0];
	v4 =	vmax.f32 v4, v6  }
0xe4: {  	v5 =	vmax.f32 v4, v8;
	v4 =	vld [tilespmem:s22+$0x10]  }
0xe5: {  	v6 =	vmax.f32 v5, v7;
	v5 =	vld [tilespmem:s22+$0x20]  }
0xe6: {  	v7 =	vmax.f32 v6, v9;
	v6 =	vld [tilespmem:s22+$0x30];
	s22 =	sadd.s32 $0x80, s22  }
0xe7: {  	v2 =	vmax.f32 v7, v2  }
0xe8: {  	v2 =	vmax.f32 v2, v3  }
0xe9: {  	v2 =	vmax.f32 v2, v4  }
0xea: {  	v2 =	vmax.f32 v2, v5  }
0xeb: {  	v2 =	vmax.f32 v2, v6  }
0xec: {  	(xrf0) =	vmax.scan.msk.f32 $0xffff, v2;
	_ =	sdelay $0x5  }
0xed: {  	v2, _, _ =	vpop (xrf0)  }
0xee: {  	(v2sf) =	vpush v2, $0xF;
	_ =	sdelay $0x8  }
0xef: {  	s23 =	simm.s32 $0x8040  }
0xf0: {  	v20 =	vld [tilespmem:s23+$0x10]  }
0xf1: {  	v14 =	vld [tilespmem:s23+$0xFFFFFFC0]  }
0xf2: {  	v15 =	vld [tilespmem:s23+$0xFFFFFFD0]  }
0xf3: {  	v16 =	vld [tilespmem:s23+$0xFFFFFFE0]  }
0xf4: {  	v17 =	vld [tilespmem:s23+$0xFFFFFFF0]  }
0xf5: {  	v19 =	vld [tilespmem:s23+$0x0];
	s22 =	spop (v2sf)  }
0xf6: {  	v2 =	vld [tilespmem:s23+$0x20];
	s21 =	sadd.f32 $-1.000000000e+00, s22  }
0xf7: {  	v3 =	vimm.s32 $0x0  }
0xf8: {  	(v2sf) =	vpush v3, $0x0;
	v4 =	vmov s21  }
0xf9: {  	vm0 =	vgt.f32 v14, v4;
	vm1 =	vgt.f32 v15, v4;
	vm2 =	vgt.f32 v16, v4  }
0xfa: {  	vm3 =	vgt.f32 v20, v4;
	vm5 =	vgt.f32 v17, v4;
	v5 =	vmpcnt.ones.xlane vm0  }
0xfb: {  	vm8 =	vgt.f32 v19, v4;
	vm10 =	vgt.f32 v2, v4;
	v6 =	vmpcnt.ones.xlane vm1  }
0xfc: {  	v7 =	vmpcnt.ones.xlane vm2;
	v8 =	vmpcnt.ones.xlane vm5;
	v5 =	vadd.s32 v3, v5  }
0xfd: {  	v9 =	vmpcnt.ones.xlane vm3;
	v3 =	vld [tilespmem:s23+$0x30];
	v6 =	vadd.s32 v5, v6;
	(v2sf) =	vpush v5, $0x0  }
0xfe: {  	s26 =	simm.s32 $0x80C0;
	v10 =	vmpcnt.ones.xlane vm10;
	v5 =	vadd.s32 v6, v7;
	(v2sf) =	vpush v6, $0x0  }
0xff: {  	v12 =	vld [tilespmem:s26+$0x20];
	v7 =	vadd.s32 v5, v8;
	v8 =	vmpcnt.ones.xlane vm8;
	(v2sf) =	vpush v5, $0x0  }
0x100: {  	vm14 =	vmmov vm0;
	vm6 =	vmmov vm1;
	v6 =	vld [tilespmem:s26+$0xFFFFFFC0];
	(v2sf) =	vpush v7, $0x0  }
0x101: {  	vm13 =	vmmov vm2;
	vm4 =	vmmov vm3;
	v5 =	vld [tilespmem:s26+$0x10];
	v7 =	vadd.s32 v7, v8  }
0x102: {  	vm15 =	vgt.f32 v3, v4;
	v8 =	vld [tilespmem:s26+$0xFFFFFFD0];
	v9 =	vadd.s32 v7, v9;
	(v2sf) =	vpush v7, $0x0  }
0x103: {  	v11 =	vmpcnt.ones.xlane vm15;
	v7 =	vadd.s32 v9, v10;
	(v2sf) =	vpush v9, $0x0;
	v9 =	vld [tilespmem:s26+$0xFFFFFFE0]  }
0x104: {  	vm9 =	vmmov vm5;
	vm12 =	vmmov vm8;
	vm1 =	vmmov vm10;
	v10 =	vld [tilespmem:s26+$0xFFFFFFF0]  }
0x105: {  	vm7 =	vgt.f32 v6, v4;
	v13 =	vadd.s32 v7, v11;
	(v2sf) =	vpush v7, $0x0;
	v11 =	vld [tilespmem:s26+$0x0]  }
0x106: {  	vm5 =	vgt.f32 v12, v4;
	v7 =	vmpcnt.ones.xlane vm7;
	(v2sf) =	vpush v13, $0x0  }
0x107: {  	v62 =	vmpcnt.ones.xlane vm5;
	vm10 =	vgt.f32 v5, v4;
	vm11 =	vgt.f32 v8, v4  }
0x108: {  	v7 =	vadd.s32 v13, v7;
	v13 =	vld [tilespmem:s26+$0x30];
	v18 =	vmpcnt.ones.xlane vm11;
	vm8 =	vgt.f32 v9, v4  }
0x109: {  	(v2sf) =	vpush v7, $0x0;
	vm2 =	vgt.f32 v10, v4;
	v21 =	vmpcnt.ones.xlane vm8  }
0x10a: {  	v18 =	vadd.s32 v7, v18;
	v22 =	vmpcnt.ones.xlane vm2;
	vm3 =	vgt.f32 v11, v4  }
0x10b: {  	s24 =	spop (v2sf);
	(v2sf) =	vpush v18, $0x0;
	v61 =	vmpcnt.ones.xlane vm3;
	v7 =	vadd.s32 v18, v21  }
0x10c: {  	[tilespmem:s24+$0x10000] =	vst.msk vm14, v14;
	s23 =	simm.s32 $0x8140;
	v23 =	vmpcnt.ones.xlane vm10;
	v21 =	vadd.s32 v7, v22;
	(v2sf) =	vpush v7, $0x0;
	s28 =	spop (v2sf)  }
0x10d: {  	v14 =	vld [tilespmem:s23+$0xFFFFFFD0];
	(v2sf) =	vpush v21, $0x0;
	[tilespmem:s28+$0x10000] =	vst.msk vm6, v15;
	s29 =	spop (v2sf);
	v15 =	vadd.s32 v21, v61;
	vm6 =	vgt.f32 v13, v4  }
0x10e: {  	v18 =	vld [tilespmem:s23+$0xFFFFFFC0];
	[tilespmem:s29+$0x10000] =	vst.msk vm13, v16;
	s30 =	spop (v2sf);
	v16 =	vadd.s32 v15, v23;
	v63 =	vmpcnt.ones.xlane vm6;
	(v2sf) =	vpush v15, $0x0  }
0x10f: {  	v7 =	vld [tilespmem:s23+$0x10];
	s31 =	spop (v2sf);
	v21 =	vadd.s32 v16, v62;
	(v2sf) =	vpush v16, $0x0  }
0x110: {  	v15 =	vld [tilespmem:s23+$0xFFFFFFE0];
	[tilespmem:s31+$0x10000] =	vst.msk vm12, v19;
	v19 =	vadd.s32 v21, v63;
	(v2sf) =	vpush v21, $0x0  }
0x111: {  	vm0 =	vmmov vm15;
	vm8 =	vmmov vm8;
	[tilespmem:s30+$0x10000] =	vst.msk vm9, v17;
	v17 =	vld [tilespmem:s23+$0xFFFFFFF0];
	s26 =	spop (v2sf);
	(v2sf) =	vpush v19, $0x0  }
0x112: {  	s25 =	simm.s32 $0x81C0;
	s24 =	simm.s32 $0x10;
	vm9 =	vmmov vm7;
	vm7 =	vmmov vm11;
	v16 =	vld [tilespmem:s23+$0x0];
	[tilespmem:s26+$0x10000] =	vst.msk vm4, v20;
	s26 =	spop (v2sf);
	vm4 =	vmmov vm10  }
.LBB2_22:
0x113: {  	vm10 =	vgt.f32 v18, v4  }
0x114: {  	v20 =	vld [tilespmem:s25+$0x10];
	s24 =	sadd.s32 $0x8, s24;
	[tilespmem:s26+$0x10000] =	vst.msk vm1, v2;
	s26 =	spop (v2sf);
	v2 =	vmovc v12;
	vm15 =	vmmov vm2;
	vm14 =	vmmov vm3;
	vm1 =	vmmov vm5  }
0x115: {  	p0 =	slt.u32 s24, $0x7F8;
	v21 =	vmpcnt.ones.xlane vm10;
	vm13 =	vgt.f32 v14, v4;
	v12 =	vld [tilespmem:s23+$0x20];
	s28 =	spop (v2sf);
	[tilespmem:s26+$0x10000] =	vst.msk vm0, v3;
	v3 =	vmovc v13;
	vm0 =	vmmov vm6  }
0x116: {  	vm12 =	vgt.f32 v7, v4;
	v22 =	vmpcnt.ones.xlane vm13;
	vm11 =	vgt.f32 v15, v4;
	[tilespmem:s28+$0x10000] =	vst.msk vm9, v6;
	v6 =	vmovc v18  }
0x117: {  	v18 =	vadd.s32 v19, v21;
	v19 =	vmpcnt.ones.xlane vm11;
	vm2 =	vgt.f32 v17, v4;
	v13 =	vld [tilespmem:s23+$0x30];
	s23 =	smov.u32 s25  }
0x118: {  	v21 =	vadd.s32 v18, v22;
	v22 =	vmpcnt.ones.xlane vm2;
	(v2sf) =	vpush v18, $0x0  }
0x119: {  	vm3 =	vgt.f32 v16, v4;
	v18 =	vadd.s32 v21, v19;
	(v2sf) =	vpush v21, $0x0  }
0x11a: {  	v21 =	vmpcnt.ones.xlane vm3;
	v19 =	vadd.s32 v18, v22;
	(v2sf) =	vpush v18, $0x0;
	s26 =	spop (v2sf)  }
0x11b: {  	v22 =	vmpcnt.ones.xlane vm12;
	vm5 =	vgt.f32 v12, v4;
	(v2sf) =	vpush v19, $0x0;
	[tilespmem:s26+$0x10000] =	vst.msk vm7, v8;
	s26 =	spop (v2sf);
	v8 =	vmovc v14  }
.Ltmp14:
0x11c: {  	v19 =	vadd.s32 v19, v21;
	v21 =	vmpcnt.ones.xlane vm5;
	v18 =	vld [tilespmem:s25+$0xFFFFFFC0];
	vm6 =	vgt.f32 v13, v4;
	[tilespmem:s26+$0x10000] =	vst.msk vm8, v9;
	s26 =	spop (v2sf);
	v9 =	vmovc v15;
	(pc) =	sbr.rel @p0 .LBB2_22-.Ltmp14, $4  }
0x11d: {  	v22 =	vadd.s32 v19, v22;
	v14 =	vld [tilespmem:s25+$0xFFFFFFD0];
	v23 =	vmpcnt.ones.xlane vm6;
	(v2sf) =	vpush v19, $0x0;
	[tilespmem:s26+$0x10000] =	vst.msk vm15, v10;
	s26 =	spop (v2sf);
	v10 =	vmovc v17  }
0x11e: {  	vm9 =	vmmov vm10;
	v21 =	vadd.s32 v22, v21;
	v15 =	vld [tilespmem:s25+$0xFFFFFFE0];
	(v2sf) =	vpush v22, $0x0;
	[tilespmem:s26+$0x10000] =	vst.msk vm14, v11;
	v11 =	vmovc v16  }
0x11f: {  	vm7 =	vmmov vm13;
	v17 =	vld [tilespmem:s25+$0xFFFFFFF0];
	v19 =	vadd.s32 v21, v23;
	(v2sf) =	vpush v21, $0x0;
	s26 =	spop (v2sf)  }
0x120: {  	vm8 =	vmmov vm11;
	s25 =	sadd.s32 $0x80, s25;
	v16 =	vld [tilespmem:s23+$0x0];
	(v2sf) =	vpush v19, $0x0;
	[tilespmem:s26+$0x10000] =	vst.msk vm4, v5;
	s26 =	spop (v2sf);
	v5 =	vmovc v7;
	v7 =	vmovc v20;
	vm4 =	vmmov vm12  }
0x121: {  	vm13 =	vgt.f32 v18, v4  }
0x122: {  	v21 =	vimm.s32 $0x0;
	v23 =	vimm.s32 $0x0;
	vm10 =	vgt.f32 v14, v4  }
0x123: {  	v21 =	vsel vm10, $0xFFFFFFFF, v21;
	v22 =	vmpcnt.ones.xlane vm10;
	vm10 =	vgt.f32 v7, v4  }
0x124: {  	v20 =	vmpcnt.ones.xlane vm13;
	[tilespmem:$0x1FFC0] =	vst v21;
	v23 =	vsel vm10, $0xFFFFFFFF, v23  }
0x125: {  	vm14 =	vgt.f32 v15, v4;
	v21 =	vld [tilespmem:s23+$0x20];
	[tilespmem:$0x1FFD0] =	vst v23  }
0x126: {  	v19 =	vadd.s32 v19, v20;
	v56 =	vmpcnt.ones.xlane vm14;
	vm15 =	vgt.f32 v17, v4;
	v23 =	vld [tilespmem:s23+$0x30]  }
0x127: {  	v22 =	vadd.s32 v19, v22;
	(v2sf) =	vpush v19, $0x0;
	v57 =	vmpcnt.ones.xlane vm15  }
0x128: {  	vm11 =	vgt.f32 v16, v4;
	v20 =	vadd.s32 v22, v56;
	(v2sf) =	vpush v22, $0x0  }
0x129: {  	s31 =	spop (v2sf);
	v58 =	vmpcnt.ones.xlane vm11;
	[tilespmem:s26+$0x10000] =	vst.msk vm1, v2;
	v19 =	vadd.s32 v20, v57;
	(v2sf) =	vpush v20, $0x0  }
0x12a: {  	s24 =	spop (v2sf);
	v59 =	vmpcnt.ones.xlane vm10;
	[tilespmem:s31+$0x10000] =	vst.msk vm0, v3;
	(v2sf) =	vpush v19, $0x0;
	vm12 =	vgt.f32 v21, v4  }
0x12b: {  	[tilespmem:s24+$0x10000] =	vst.msk vm9, v6;
	s25 =	spop (v2sf);
	v19 =	vadd.s32 v19, v58;
	v60 =	vmpcnt.ones.xlane vm12;
	vm10 =	vgt.f32 v23, v4  }
0x12c: {  	s28 =	spop (v2sf);
	[tilespmem:s25+$0x10000] =	vst.msk vm7, v8;
	v61 =	vadd.s32 v19, v59;
	(v2sf) =	vpush v19, $0x0;
	v62 =	vmpcnt.ones.xlane vm10  }
0x12d: {  	vm7 =	vmmov vm2;
	s29 =	spop (v2sf);
	[tilespmem:s28+$0x10000] =	vst.msk vm8, v9;
	(v2sf) =	vpush v61, $0x0;
	v20 =	vadd.s32 v61, v60  }
0x12e: {  	vm8 =	vmmov vm3;
	s30 =	spop (v2sf);
	[tilespmem:s29+$0x10000] =	vst.msk vm7, v10;
	v63 =	vadd.s32 v20, v62;
	(v2sf) =	vpush v20, $0x0  }
0x12f: {  	[tilespmem:s30+$0x10000] =	vst.msk vm8, v11;
	s26 =	spop (v2sf);
	(v2sf) =	vpush v63, $0x0  }
0x130: {  	vm9 =	vmmov vm5;
	s23 =	spop (v2sf);
	[tilespmem:s26+$0x10000] =	vst.msk vm4, v5  }
0x131: {  	vm5 =	vmmov vm6;
	s24 =	spop (v2sf);
	[tilespmem:s23+$0x10000] =	vst.msk vm9, v12  }
0x132: {  	[tilespmem:s24+$0x10000] =	vst.msk vm5, v13  }
0x133: {  	v2 =	vld [tilespmem:$0x1FFC0];
	_ =	sdelay $0x2  }
0x134: {  	s25 =	spop (v2sf)  }
0x135: {  	vm6 =	vmmov vm13;
	s28 =	spop (v2sf)  }
0x136: {  	vm8 =	vmmov vm14;
	[tilespmem:s25+$0x10000] =	vst.msk vm6, v18;
	s31 =	spop (v2sf);
	vm7 =	vnez.u8 v2  }
0x137: {  	s30 =	spop (v2sf);
	vm1 =	vmmov vm7;
	[tilespmem:s31+$0x10000] =	vst.msk vm8, v15  }
0x138: {  	vm9 =	vmmov vm15;
	s26 =	spop (v2sf);
	[tilespmem:s28+$0x10000] =	vst.msk vm1, v14  }
0x139: {  	[tilespmem:s30+$0x10000] =	vst.msk vm9, v17;
	s23 =	spop (v2sf)  }
0x13a: {  	v3 =	vld [tilespmem:$0x1FFD0];
	s24 =	spop (v2sf)  }
0x13b: {  	s25 =	spop (v2sf)  }
0x13c: {  	v2 =	vbroadcast v63, $0x0;
	s28 =	spop (v2sf)  }
0x13d: {  	s31 =	sand.u32 $0xF, s28;
	s30 =	sshra.s32 s28, $0x1F  }
0x13e: {  	vm11 =	vmmov vm11;
	v2 =	vadd.s32 v0, v2;
	p1 =	slt.s32 s28, $0x1;
	p0 =	sne.s32 s31, $0x0;
	s31 =	sadd.f32 $-2.000000000e+00, s22  }
.Ltmp15:
0x13f: {  	vm14 =	vmmov vm12;
	[tilespmem:s26+$0x10000] =	vst.msk vm11, v16;
	vm13 =	vnez.u8 v3;
	s29 =	sshrl.u32 s30, $0x1C;
	p0 =	por !p1, !p0;
	(pc) =	sbr.rel .LBB2_24-.Ltmp15, $4  }
0x140: {  	[tilespmem:s24+$0x10000] =	vst.msk vm14, v21;
	vm1 =	vmmov vm13;
	s30 =	sadd.s32 s29, s28;
	s28 =	simm.s32 $0x1;
	p0 =	por !p0, !p0  }
0x141: {  	vm15 =	vmmov vm10;
	[tilespmem:s23+$0x10000] =	vst.msk vm1, v7;
	s23 =	sshra.s32 s30, $0x4;
	s28 =	simm.s32 @!p0 $0x0  }
0x142: {  	[tilespmem:s25+$0x10000] =	vst.msk vm15, v23;
	v3 =	vmov s31;
	s31 =	ssub.s32 s23, s28  }
0x143: {  	s24 =	simm.s32 $0x0;
	[tilespmem:v2+s16+$0x0] =	vst.idx.msk $0xffff, v3;
	s23 =	sadd.s32 $0x1, s31;
	p0 =	slt.s32 s31, $0x0  }
.LBB2_25:
0x144: {  	v2 =	vimm.f32 $0.0e+00  }
.LBB2_31:
0x145: {  	(xrf2) =	vadd.scan.msk.f32 $0xffff, v2;
	_ =	sdelay $0x9  }
0x146: {  	v2, _, _ =	vpop (xrf2)  }
0x147: {  	(v2sf) =	vpush v2, $0xF;
	_ =	sdelay $0xe  }
0x148: {  	s26 =	spop (v2sf)  }
0x149: {  	p1 =	sge.f32 s26, $1.000000000e+00  }
0x14a: {  	s24 =	sadd.s32 $0x1, s24  }
0x14b: {  	s21 =	smov.u32 @p1 s25;
	s25 =	smov.u32 @p1 s22;
	p1 =	seq.s32 s24, $0x10  }
.Ltmp16:
0x14c: {  	_ = 	snop;
	(pc) =	sbr.rel @p1 .LBB2_26-.Ltmp16, $2  }
0x14d: {  	_ =	sdelay $0x2  }
0x14e: {  	s22 =	smov.u32 s25  }
.LBB2_24:
.Ltmp17:
0x14f: {  	(pc) =	sbr.rel @p0 .LBB2_25-.Ltmp17, $3  }
0x150: {  	_ = 	snop  }
0x151: {  	s25 =	sadd.f32 s22, s21;
	_ =	sdelay $0x1  }
0x152: {  	s25 =	smul.f32 $5.000000000e-01, s25  }
0x153: {  	s26 =	simm.s32 $0x10000  }
0x154: {  	p1 =	sne.s32 s23, $0x1;
	v4 =	vld [tilespmem:s26+$0x0]  }
.Ltmp18:
0x155: {  	_ = 	snop;
	(pc) =	sbr.rel @!p1 .LBB2_30-.Ltmp18, $3  }
0x156: {  	_ =	sdelay $0x1  }
0x157: {  	v3 =	vmov s25  }
0x158: {  	v2 =	vimm.f32 $0.0e+00;
	s28 =	simm.s32 $0x10010;
	s26 =	sadd.s32 $0xFFFFFFFF, s23;
	v4 =	vsub.f32 v4, v3  }
.LBB2_29:
0x159: {  	v5 =	vld [tilespmem:s28+$0x0];
	p1 =	sne.s32 s26, $0x1;
	s26 =	sadd.s32 $0xFFFFFFFF, s26  }
.Ltmp19:
0x15a: {  	v4 =	vmax.f32 v4, $0.0e+00;
	(pc) =	sbr.rel @p1 .LBB2_29-.Ltmp19, $2  }
0x15b: {  	v2 =	vadd.f32 v4, v2;
	_ =	sdelay $0x2  }
0x15c: {  	s28 =	sadd.s32 $0x10, s28;
	v4 =	vsub.f32 v5, v3  }
.LBB2_30:
.Ltmp20:
0x15d: {  	(pc) =	sbr.rel .LBB2_31-.Ltmp20, $3  }
0x15e: {  	_ = 	snop  }
0x15f: {  	v3 =	vmax.f32 v4, $0.0e+00  }
0x160: {  	v2 =	vadd.f32 v3, v2;
	_ =	sdelay $0x1  }
.LBB2_26:
.Ltmp21:
0x161: {  	(pc) =	sbr.rel @p0 .LBB2_27-.Ltmp21, $1  }
0x162: {  	_ =	sdelay $0x3  }
0x163: {  	s31 =	simm.s32 $0x10000  }
0x164: {  	p0 =	sne.s32 s23, $0x1;
	v4 =	vld [tilespmem:s31+$0x0]  }
.Ltmp22:
0x165: {  	_ = 	snop;
	(pc) =	sbr.rel @!p0 .LBB2_34-.Ltmp22, $3  }
0x166: {  	_ =	sdelay $0x1  }
0x167: {  	v3 =	vmov s21  }
0x168: {  	v2 =	vimm.f32 $0.0e+00;
	s21 =	sadd.s32 $0xFFFFFFFF, s23;
	s22 =	simm.s32 $0x10010;
	v5 =	vimm.f32 $0.0e+00;
	vm0 =	vgt.f32 v4, v3  }
.LBB2_33:
0x169: {  	p0 =	sne.s32 s21, $0x1;
	s21 =	sadd.s32 $0xFFFFFFFF, s21;
	v6 =	vsel vm0, $0x3F800000, v1;
	v7 =	vnsel vm0, $0x0, v4;
	v4 =	vld [tilespmem:s22+$0x0]  }
.Ltmp23:
0x16a: {  	v2 =	vadd.f32 v6, v2;
	v5 =	vadd.f32 v7, v5;
	(pc) =	sbr.rel @p0 .LBB2_33-.Ltmp23, $2  }
0x16b: {  	_ =	sdelay $0x2  }
0x16c: {  	s22 =	sadd.s32 $0x10, s22;
	vm0 =	vgt.f32 v4, v3  }
.LBB2_34:
.Ltmp24:
0x16d: {  	(pc) =	sbr.rel .LBB2_35-.Ltmp24, $3  }
0x16e: {  	_ =	sdelay $0x1  }
0x16f: {  	v3 =	vsel vm0, $0x3F800000, v1;
	v4 =	vnsel vm0, $0x0, v4  }
0x170: {  	v2 =	vadd.f32 v3, v2;
	v3 =	vadd.f32 v4, v5  }
.LBB2_27:
0x171: {  	v2 =	vimm.f32 $0.0e+00;
	v3 =	vimm.f32 $0.0e+00  }
.LBB2_35:
0x172: {  	_ = 	snop  }
0x173: {  	(xrf2) =	vadd.scan.msk.f32 $0xffff, v3  }
0x174: {  	(xrf2) =	vadd.scan.msk.f32 $0xffff, v2;
	_ =	sdelay $0x8  }
0x175: {  	v2, _, _ =	vpop (xrf2)  }
0x176: {  	v3, _, _ =	vpop (xrf2)  }
0x177: {  	v3 =	vbroadcast v3, $0xF;
	_ =	sdelay $0x1  }
0x178: {  	(erf) = vrcp.f32 v3;
	_ =	sdelay $0x5  }
0x179: {  	s21 =	simm.s32 $0x8040;
	v2 =	vadd.f32 $-1.000000000e+00, v2  }
0x17a: {  	v4 =	vld [tilespmem:s21+$0x30]  }
0x17b: {  	v6 =	vld [tilespmem:s21+$0xFFFFFFD0];
	v2 =	vbroadcast v2, $0xF  }
0x17c: {  	v8 =	vld [tilespmem:s21+$0xFFFFFFE0];
	v3 =	vpop (erf)  }
0x17d: {  	v7 =	vld [tilespmem:s21+$0xFFFFFFF0];
	v2 =	vmul.f32 v2, v3  }
0x17e: {  	v5 =	vld [tilespmem:s21+$0x0]  }
0x17f: {  	v3 =	vld [tilespmem:s21+$0x10];
	v10 =	vsub.f32 v4, v2  }
0x180: {  	v4 =	vld [tilespmem:s21+$0x20];
	v9 =	vsub.f32 v6, v2  }
0x181: {  	s22 =	simm.s32 $0x0;
	s23 =	simm.s32 $0x80C0;
	v6 =	vld [tilespmem:s21+$0xFFFFFFC0];
	v8 =	vsub.f32 v8, v2;
	v10 =	vmax.f32 v10, $0.0e+00  }
.LBB2_36:
0x182: {  	v11 =	vld [tilespmem:s23+$0x30];
	s22 =	sadd.s32 $0x8, s22;
	v9 =	vmax.f32 v9, $0.0e+00;
	v7 =	vsub.f32 v7, v2;
	[tilespmem:s21+$0x30] =	vst v10  }
0x183: {  	v10 =	vld [tilespmem:s23+$0xFFFFFFD0];
	p0 =	slt.u32 s22, $0x7F8;
	[tilespmem:s21+$0xFFFFFFD0] =	vst v9;
	v8 =	vmax.f32 v8, $0.0e+00;
	v5 =	vsub.f32 v5, v2  }
0x184: {  	v12 =	vld [tilespmem:s23+$0xFFFFFFE0];
	[tilespmem:s21+$0xFFFFFFE0] =	vst v8;
	v8 =	vmax.f32 v7, $0.0e+00;
	v3 =	vsub.f32 v3, v2  }
.Ltmp25:
0x185: {  	v7 =	vld [tilespmem:s23+$0xFFFFFFF0];
	[tilespmem:s21+$0xFFFFFFF0] =	vst v8;
	v8 =	vmax.f32 v5, $0.0e+00;
	v4 =	vsub.f32 v4, v2;
	(pc) =	sbr.rel @p0 .LBB2_36-.Ltmp25, $4  }
0x186: {  	v5 =	vld [tilespmem:s23+$0x0];
	v6 =	vsub.f32 v6, v2;
	[tilespmem:s21+$0x0] =	vst v8;
	v8 =	vmax.f32 v3, $0.0e+00  }
0x187: {  	v3 =	vld [tilespmem:s23+$0x10];
	v11 =	vsub.f32 v11, v2;
	[tilespmem:s21+$0x10] =	vst v8;
	v8 =	vmax.f32 v4, $0.0e+00  }
0x188: {  	v9 =	vsub.f32 v10, v2;
	v4 =	vld [tilespmem:s23+$0x20];
	v13 =	vmax.f32 v6, $0.0e+00;
	[tilespmem:s21+$0x20] =	vst v8  }
0x189: {  	v6 =	vld [tilespmem:s23+$0xFFFFFFC0];
	v8 =	vsub.f32 v12, v2;
	v10 =	vmax.f32 v11, $0.0e+00;
	[tilespmem:s21+$0xFFFFFFC0] =	vst v13;
	s21 =	smov.u32 s23;
	s23 =	sadd.s32 $0x80, s23  }
0x18a: {  	v9 =	vmax.f32 v9, $0.0e+00;
	v7 =	vsub.f32 v7, v2;
	[tilespmem:s21+$0x30] =	vst v10  }
0x18b: {  	[tilespmem:s21+$0xFFFFFFD0] =	vst v9;
	v8 =	vmax.f32 v8, $0.0e+00;
	v5 =	vsub.f32 v5, v2  }
0x18c: {  	[tilespmem:s21+$0xFFFFFFE0] =	vst v8;
	v7 =	vmax.f32 v7, $0.0e+00;
	v3 =	vsub.f32 v3, v2  }
0x18d: {  	[tilespmem:s21+$0xFFFFFFF0] =	vst v7;
	v5 =	vmax.f32 v5, $0.0e+00;
	v4 =	vsub.f32 v4, v2  }
0x18e: {  	v2 =	vsub.f32 v6, v2;
	[tilespmem:s21+$0x0] =	vst v5;
	v3 =	vmax.f32 v3, $0.0e+00  }
0x18f: {  	[tilespmem:s21+$0x10] =	vst v3;
	v3 =	vmax.f32 v4, $0.0e+00  }
0x190: {  	v2 =	vmax.f32 v2, $0.0e+00;
	[tilespmem:s21+$0x20] =	vst v3  }
0x191: {  	[tilespmem:s21+$0xFFFFFFC0] =	vst v2  }
0x192: {  	[hbm4b:s7+s12] =	stream.strided.scatter [tilespmem:s14], [sflag:$0x4], $0x8000, s13, s12, $0x38;
	[tilespmem:$0x18080] =	vst v63  }
0x193: {  	_ =	swait.ge [sflag:s15], $0x8000  }
0x194: {  	[sflag:s15] =	ssyncset.done $0x0  }
0x195: {  	[sflag:s15] =	ssyncadd.s32 $0xFFFF8000  }
0x196: {  	_ =	swait.ge [sflag:s19], $0x8000  }
0x197: {  	[sflag:s19] =	ssyncset.done $0x0  }
0x198: {  	s22 =	simm.s32 $0x40;
	[sflag:s19] =	ssyncadd.s32 $0xFFFF8000  }
0x199: {  	[tilespmem:s14], [sflag:$0x2] =	stream.strided.gather [hbm4b:s8+s12], $0x8000, s13, s12, $0x38;
	[tilespmem:$0x18080] =	vst v63  }
0x19a: {  	v4 =	vld [tilespmem:s22+$0xFFFFFFC0]  }
0x19b: {  	v5 =	vld [tilespmem:s22+$0xFFFFFFD0]  }
0x19c: {  	v6 =	vld [tilespmem:s22+$0xFFFFFFE0]  }
0x19d: {  	v2 =	vld [tilespmem:s22+$0xFFFFFFF0]  }
0x19e: {  	v7 =	vimm.f32 $-3.000000010e+38;
	v3 =	vld [tilespmem:s22+$0x0]  }
0x19f: {  	v7 =	vmax.f32 v7, v4;
	v4 =	vld [tilespmem:s22+$0x10]  }
0x1a0: {  	v7 =	vmax.f32 v7, v5;
	v5 =	vld [tilespmem:s22+$0x20]  }
0x1a1: {  	s21 =	simm.s32 $0x0;
	v7 =	vmax.f32 v7, v6;
	v6 =	vld [tilespmem:s22+$0x30];
	s22 =	simm.s32 $0xC0  }
.LBB2_38:
0x1a2: {  	v8 =	vld [tilespmem:s22+$0xFFFFFFC0];
	s21 =	sadd.s32 $0x8, s21;
	v2 =	vmax.f32 v7, v2  }
0x1a3: {  	v7 =	vld [tilespmem:s22+$0xFFFFFFD0];
	p0 =	slt.u32 s21, $0x7F8;
	v2 =	vmax.f32 v2, v3  }
0x1a4: {  	v9 =	vld [tilespmem:s22+$0xFFFFFFE0];
	v3 =	vmax.f32 v2, v4  }
.Ltmp26:
0x1a5: {  	v2 =	vld [tilespmem:s22+$0xFFFFFFF0];
	v4 =	vmax.f32 v3, v5;
	(pc) =	sbr.rel @p0 .LBB2_38-.Ltmp26, $4  }
0x1a6: {  	v3 =	vld [tilespmem:s22+$0x0];
	v4 =	vmax.f32 v4, v6  }
0x1a7: {  	v5 =	vmax.f32 v4, v8;
	v4 =	vld [tilespmem:s22+$0x10]  }
0x1a8: {  	v6 =	vmax.f32 v5, v7;
	v5 =	vld [tilespmem:s22+$0x20]  }
0x1a9: {  	v7 =	vmax.f32 v6, v9;
	v6 =	vld [tilespmem:s22+$0x30];
	s22 =	sadd.s32 $0x80, s22  }
0x1aa: {  	v2 =	vmax.f32 v7, v2  }
0x1ab: {  	v2 =	vmax.f32 v2, v3  }
0x1ac: {  	v2 =	vmax.f32 v2, v4  }
0x1ad: {  	v2 =	vmax.f32 v2, v5  }
0x1ae: {  	v2 =	vmax.f32 v2, v6  }
0x1af: {  	(xrf0) =	vmax.scan.msk.f32 $0xffff, v2;
	_ =	sdelay $0x5  }
0x1b0: {  	v2, _, _ =	vpop (xrf0)  }
0x1b1: {  	(v2sf) =	vpush v2, $0xF;
	_ =	sdelay $0x8  }
0x1b2: {  	s23 =	simm.s32 $0x40  }
0x1b3: {  	v20 =	vld [tilespmem:s23+$0x10]  }
0x1b4: {  	v14 =	vld [tilespmem:s23+$0xFFFFFFC0]  }
0x1b5: {  	v15 =	vld [tilespmem:s23+$0xFFFFFFD0]  }
0x1b6: {  	v16 =	vld [tilespmem:s23+$0xFFFFFFE0]  }
0x1b7: {  	v17 =	vld [tilespmem:s23+$0xFFFFFFF0]  }
0x1b8: {  	v19 =	vld [tilespmem:s23+$0x0];
	s22 =	spop (v2sf)  }
0x1b9: {  	v2 =	vld [tilespmem:s23+$0x20];
	s21 =	sadd.f32 $-1.000000000e+00, s22  }
0x1ba: {  	v3 =	vimm.s32 $0x0  }
0x1bb: {  	(v2sf) =	vpush v3, $0x0;
	v4 =	vmov s21  }
0x1bc: {  	vm0 =	vgt.f32 v14, v4;
	vm1 =	vgt.f32 v15, v4;
	vm2 =	vgt.f32 v16, v4  }
0x1bd: {  	vm3 =	vgt.f32 v20, v4;
	vm5 =	vgt.f32 v17, v4;
	v5 =	vmpcnt.ones.xlane vm0  }
0x1be: {  	vm8 =	vgt.f32 v19, v4;
	vm10 =	vgt.f32 v2, v4;
	v6 =	vmpcnt.ones.xlane vm1  }
0x1bf: {  	v7 =	vmpcnt.ones.xlane vm2;
	v8 =	vmpcnt.ones.xlane vm5;
	v5 =	vadd.s32 v3, v5  }
0x1c0: {  	v9 =	vmpcnt.ones.xlane vm3;
	v3 =	vld [tilespmem:s23+$0x30];
	v6 =	vadd.s32 v5, v6;
	(v2sf) =	vpush v5, $0x0  }
0x1c1: {  	s26 =	simm.s32 $0xC0;
	v10 =	vmpcnt.ones.xlane vm10;
	v5 =	vadd.s32 v6, v7;
	(v2sf) =	vpush v6, $0x0  }
0x1c2: {  	v12 =	vld [tilespmem:s26+$0x20];
	v7 =	vadd.s32 v5, v8;
	v8 =	vmpcnt.ones.xlane vm8;
	(v2sf) =	vpush v5, $0x0  }
0x1c3: {  	vm14 =	vmmov vm0;
	vm6 =	vmmov vm1;
	v6 =	vld [tilespmem:s26+$0xFFFFFFC0];
	(v2sf) =	vpush v7, $0x0  }
0x1c4: {  	vm13 =	vmmov vm2;
	vm4 =	vmmov vm3;
	v5 =	vld [tilespmem:s26+$0x10];
	v7 =	vadd.s32 v7, v8  }
0x1c5: {  	vm15 =	vgt.f32 v3, v4;
	v8 =	vld [tilespmem:s26+$0xFFFFFFD0];
	v9 =	vadd.s32 v7, v9;
	(v2sf) =	vpush v7, $0x0  }
0x1c6: {  	v11 =	vmpcnt.ones.xlane vm15;
	v7 =	vadd.s32 v9, v10;
	(v2sf) =	vpush v9, $0x0;
	v9 =	vld [tilespmem:s26+$0xFFFFFFE0]  }
0x1c7: {  	vm9 =	vmmov vm5;
	vm12 =	vmmov vm8;
	vm1 =	vmmov vm10;
	v10 =	vld [tilespmem:s26+$0xFFFFFFF0]  }
0x1c8: {  	vm7 =	vgt.f32 v6, v4;
	v13 =	vadd.s32 v7, v11;
	(v2sf) =	vpush v7, $0x0;
	v11 =	vld [tilespmem:s26+$0x0]  }
0x1c9: {  	vm5 =	vgt.f32 v12, v4;
	v7 =	vmpcnt.ones.xlane vm7;
	(v2sf) =	vpush v13, $0x0  }
0x1ca: {  	v62 =	vmpcnt.ones.xlane vm5;
	vm10 =	vgt.f32 v5, v4;
	vm11 =	vgt.f32 v8, v4  }
0x1cb: {  	v7 =	vadd.s32 v13, v7;
	v13 =	vld [tilespmem:s26+$0x30];
	v18 =	vmpcnt.ones.xlane vm11;
	vm8 =	vgt.f32 v9, v4  }
0x1cc: {  	(v2sf) =	vpush v7, $0x0;
	vm2 =	vgt.f32 v10, v4;
	v21 =	vmpcnt.ones.xlane vm8  }
0x1cd: {  	v18 =	vadd.s32 v7, v18;
	v22 =	vmpcnt.ones.xlane vm2;
	vm3 =	vgt.f32 v11, v4  }
0x1ce: {  	s24 =	spop (v2sf);
	(v2sf) =	vpush v18, $0x0;
	v61 =	vmpcnt.ones.xlane vm3;
	v7 =	vadd.s32 v18, v21  }
0x1cf: {  	[tilespmem:s24+$0x10000] =	vst.msk vm14, v14;
	s23 =	simm.s32 $0x140;
	v23 =	vmpcnt.ones.xlane vm10;
	v21 =	vadd.s32 v7, v22;
	(v2sf) =	vpush v7, $0x0;
	s28 =	spop (v2sf)  }
0x1d0: {  	v14 =	vld [tilespmem:s23+$0xFFFFFFD0];
	(v2sf) =	vpush v21, $0x0;
	[tilespmem:s28+$0x10000] =	vst.msk vm6, v15;
	s29 =	spop (v2sf);
	v15 =	vadd.s32 v21, v61;
	vm6 =	vgt.f32 v13, v4  }
0x1d1: {  	v18 =	vld [tilespmem:s23+$0xFFFFFFC0];
	[tilespmem:s29+$0x10000] =	vst.msk vm13, v16;
	s30 =	spop (v2sf);
	v16 =	vadd.s32 v15, v23;
	v63 =	vmpcnt.ones.xlane vm6;
	(v2sf) =	vpush v15, $0x0  }
0x1d2: {  	v7 =	vld [tilespmem:s23+$0x10];
	s31 =	spop (v2sf);
	v21 =	vadd.s32 v16, v62;
	(v2sf) =	vpush v16, $0x0  }
0x1d3: {  	v15 =	vld [tilespmem:s23+$0xFFFFFFE0];
	[tilespmem:s31+$0x10000] =	vst.msk vm12, v19;
	v19 =	vadd.s32 v21, v63;
	(v2sf) =	vpush v21, $0x0  }
0x1d4: {  	vm0 =	vmmov vm15;
	vm8 =	vmmov vm8;
	[tilespmem:s30+$0x10000] =	vst.msk vm9, v17;
	v17 =	vld [tilespmem:s23+$0xFFFFFFF0];
	s26 =	spop (v2sf);
	(v2sf) =	vpush v19, $0x0  }
0x1d5: {  	s25 =	simm.s32 $0x1C0;
	s24 =	simm.s32 $0x10;
	vm9 =	vmmov vm7;
	vm7 =	vmmov vm11;
	v16 =	vld [tilespmem:s23+$0x0];
	[tilespmem:s26+$0x10000] =	vst.msk vm4, v20;
	s26 =	spop (v2sf);
	vm4 =	vmmov vm10  }
.LBB2_40:
0x1d6: {  	vm10 =	vgt.f32 v18, v4  }
0x1d7: {  	v20 =	vld [tilespmem:s25+$0x10];
	s24 =	sadd.s32 $0x8, s24;
	[tilespmem:s26+$0x10000] =	vst.msk vm1, v2;
	s26 =	spop (v2sf);
	v2 =	vmovc v12;
	vm15 =	vmmov vm2;
	vm14 =	vmmov vm3;
	vm1 =	vmmov vm5  }
0x1d8: {  	p0 =	slt.u32 s24, $0x7F8;
	v21 =	vmpcnt.ones.xlane vm10;
	vm13 =	vgt.f32 v14, v4;
	v12 =	vld [tilespmem:s23+$0x20];
	s28 =	spop (v2sf);
	[tilespmem:s26+$0x10000] =	vst.msk vm0, v3;
	v3 =	vmovc v13;
	vm0 =	vmmov vm6  }
0x1d9: {  	vm12 =	vgt.f32 v7, v4;
	v22 =	vmpcnt.ones.xlane vm13;
	vm11 =	vgt.f32 v15, v4;
	[tilespmem:s28+$0x10000] =	vst.msk vm9, v6;
	v6 =	vmovc v18  }
0x1da: {  	v18 =	vadd.s32 v19, v21;
	v19 =	vmpcnt.ones.xlane vm11;
	vm2 =	vgt.f32 v17, v4;
	v13 =	vld [tilespmem:s23+$0x30];
	s23 =	smov.u32 s25  }
0x1db: {  	v21 =	vadd.s32 v18, v22;
	v22 =	vmpcnt.ones.xlane vm2;
	(v2sf) =	vpush v18, $0x0  }
0x1dc: {  	vm3 =	vgt.f32 v16, v4;
	v18 =	vadd.s32 v21, v19;
	(v2sf) =	vpush v21, $0x0  }
0x1dd: {  	v21 =	vmpcnt.ones.xlane vm3;
	v19 =	vadd.s32 v18, v22;
	(v2sf) =	vpush v18, $0x0;
	s26 =	spop (v2sf)  }
0x1de: {  	v22 =	vmpcnt.ones.xlane vm12;
	vm5 =	vgt.f32 v12, v4;
	(v2sf) =	vpush v19, $0x0;
	[tilespmem:s26+$0x10000] =	vst.msk vm7, v8;
	s26 =	spop (v2sf);
	v8 =	vmovc v14  }
.Ltmp27:
0x1df: {  	v19 =	vadd.s32 v19, v21;
	v21 =	vmpcnt.ones.xlane vm5;
	v18 =	vld [tilespmem:s25+$0xFFFFFFC0];
	vm6 =	vgt.f32 v13, v4;
	[tilespmem:s26+$0x10000] =	vst.msk vm8, v9;
	s26 =	spop (v2sf);
	v9 =	vmovc v15;
	(pc) =	sbr.rel @p0 .LBB2_40-.Ltmp27, $4  }
0x1e0: {  	v22 =	vadd.s32 v19, v22;
	v14 =	vld [tilespmem:s25+$0xFFFFFFD0];
	v23 =	vmpcnt.ones.xlane vm6;
	(v2sf) =	vpush v19, $0x0;
	[tilespmem:s26+$0x10000] =	vst.msk vm15, v10;
	s26 =	spop (v2sf);
	v10 =	vmovc v17  }
0x1e1: {  	vm9 =	vmmov vm10;
	v21 =	vadd.s32 v22, v21;
	v15 =	vld [tilespmem:s25+$0xFFFFFFE0];
	(v2sf) =	vpush v22, $0x0;
	[tilespmem:s26+$0x10000] =	vst.msk vm14, v11;
	v11 =	vmovc v16  }
0x1e2: {  	vm7 =	vmmov vm13;
	v17 =	vld [tilespmem:s25+$0xFFFFFFF0];
	v19 =	vadd.s32 v21, v23;
	(v2sf) =	vpush v21, $0x0;
	s26 =	spop (v2sf)  }
0x1e3: {  	vm8 =	vmmov vm11;
	s25 =	sadd.s32 $0x80, s25;
	v16 =	vld [tilespmem:s23+$0x0];
	(v2sf) =	vpush v19, $0x0;
	[tilespmem:s26+$0x10000] =	vst.msk vm4, v5;
	s26 =	spop (v2sf);
	v5 =	vmovc v7;
	v7 =	vmovc v20;
	vm4 =	vmmov vm12  }
0x1e4: {  	vm13 =	vgt.f32 v18, v4  }
0x1e5: {  	v21 =	vimm.s32 $0x0;
	v23 =	vimm.s32 $0x0;
	vm10 =	vgt.f32 v14, v4  }
0x1e6: {  	v21 =	vsel vm10, $0xFFFFFFFF, v21;
	v22 =	vmpcnt.ones.xlane vm10;
	vm10 =	vgt.f32 v7, v4  }
0x1e7: {  	v20 =	vmpcnt.ones.xlane vm13;
	[tilespmem:$0x1FFA0] =	vst v21;
	v23 =	vsel vm10, $0xFFFFFFFF, v23  }
0x1e8: {  	vm14 =	vgt.f32 v15, v4;
	v21 =	vld [tilespmem:s23+$0x20];
	[tilespmem:$0x1FFB0] =	vst v23  }
0x1e9: {  	v19 =	vadd.s32 v19, v20;
	v56 =	vmpcnt.ones.xlane vm14;
	vm15 =	vgt.f32 v17, v4;
	v23 =	vld [tilespmem:s23+$0x30]  }
0x1ea: {  	v22 =	vadd.s32 v19, v22;
	(v2sf) =	vpush v19, $0x0;
	v57 =	vmpcnt.ones.xlane vm15  }
0x1eb: {  	vm11 =	vgt.f32 v16, v4;
	v20 =	vadd.s32 v22, v56;
	(v2sf) =	vpush v22, $0x0  }
0x1ec: {  	s31 =	spop (v2sf);
	v58 =	vmpcnt.ones.xlane vm11;
	[tilespmem:s26+$0x10000] =	vst.msk vm1, v2;
	v19 =	vadd.s32 v20, v57;
	(v2sf) =	vpush v20, $0x0  }
0x1ed: {  	s24 =	spop (v2sf);
	v59 =	vmpcnt.ones.xlane vm10;
	[tilespmem:s31+$0x10000] =	vst.msk vm0, v3;
	(v2sf) =	vpush v19, $0x0;
	vm12 =	vgt.f32 v21, v4  }
0x1ee: {  	[tilespmem:s24+$0x10000] =	vst.msk vm9, v6;
	s25 =	spop (v2sf);
	v19 =	vadd.s32 v19, v58;
	v60 =	vmpcnt.ones.xlane vm12;
	vm10 =	vgt.f32 v23, v4  }
0x1ef: {  	s28 =	spop (v2sf);
	[tilespmem:s25+$0x10000] =	vst.msk vm7, v8;
	v61 =	vadd.s32 v19, v59;
	(v2sf) =	vpush v19, $0x0;
	v62 =	vmpcnt.ones.xlane vm10  }
0x1f0: {  	vm7 =	vmmov vm2;
	s29 =	spop (v2sf);
	[tilespmem:s28+$0x10000] =	vst.msk vm8, v9;
	(v2sf) =	vpush v61, $0x0;
	v20 =	vadd.s32 v61, v60  }
0x1f1: {  	vm8 =	vmmov vm3;
	s30 =	spop (v2sf);
	[tilespmem:s29+$0x10000] =	vst.msk vm7, v10;
	v63 =	vadd.s32 v20, v62;
	(v2sf) =	vpush v20, $0x0  }
0x1f2: {  	[tilespmem:s30+$0x10000] =	vst.msk vm8, v11;
	s26 =	spop (v2sf);
	(v2sf) =	vpush v63, $0x0  }
0x1f3: {  	vm9 =	vmmov vm5;
	s23 =	spop (v2sf);
	[tilespmem:s26+$0x10000] =	vst.msk vm4, v5  }
0x1f4: {  	vm5 =	vmmov vm6;
	s24 =	spop (v2sf);
	[tilespmem:s23+$0x10000] =	vst.msk vm9, v12  }
0x1f5: {  	[tilespmem:s24+$0x10000] =	vst.msk vm5, v13  }
0x1f6: {  	v2 =	vld [tilespmem:$0x1FFA0];
	_ =	sdelay $0x2  }
0x1f7: {  	s25 =	spop (v2sf)  }
0x1f8: {  	vm6 =	vmmov vm13;
	s28 =	spop (v2sf)  }
0x1f9: {  	vm8 =	vmmov vm14;
	[tilespmem:s25+$0x10000] =	vst.msk vm6, v18;
	s31 =	spop (v2sf);
	vm7 =	vnez.u8 v2  }
0x1fa: {  	s30 =	spop (v2sf);
	vm1 =	vmmov vm7;
	[tilespmem:s31+$0x10000] =	vst.msk vm8, v15  }
0x1fb: {  	vm9 =	vmmov vm15;
	s26 =	spop (v2sf);
	[tilespmem:s28+$0x10000] =	vst.msk vm1, v14  }
0x1fc: {  	[tilespmem:s30+$0x10000] =	vst.msk vm9, v17;
	s23 =	spop (v2sf)  }
0x1fd: {  	v3 =	vld [tilespmem:$0x1FFB0];
	s24 =	spop (v2sf)  }
0x1fe: {  	s25 =	spop (v2sf)  }
0x1ff: {  	v2 =	vbroadcast v63, $0x0;
	s28 =	spop (v2sf)  }
0x200: {  	s31 =	sand.u32 $0xF, s28;
	s30 =	sshra.s32 s28, $0x1F  }
0x201: {  	vm11 =	vmmov vm11;
	v2 =	vadd.s32 v0, v2;
	p1 =	slt.s32 s28, $0x1;
	p0 =	sne.s32 s31, $0x0;
	s31 =	sadd.f32 $-2.000000000e+00, s22  }
.Ltmp28:
0x202: {  	vm14 =	vmmov vm12;
	[tilespmem:s26+$0x10000] =	vst.msk vm11, v16;
	vm13 =	vnez.u8 v3;
	s29 =	sshrl.u32 s30, $0x1C;
	p0 =	por !p1, !p0;
	(pc) =	sbr.rel .LBB2_42-.Ltmp28, $4  }
0x203: {  	[tilespmem:s24+$0x10000] =	vst.msk vm14, v21;
	vm1 =	vmmov vm13;
	s30 =	sadd.s32 s29, s28;
	s28 =	simm.s32 $0x1;
	p0 =	por !p0, !p0  }
0x204: {  	vm15 =	vmmov vm10;
	[tilespmem:s23+$0x10000] =	vst.msk vm1, v7;
	s23 =	sshra.s32 s30, $0x4;
	s28 =	simm.s32 @!p0 $0x0  }
0x205: {  	[tilespmem:s25+$0x10000] =	vst.msk vm15, v23;
	v3 =	vmov s31;
	s31 =	ssub.s32 s23, s28  }
0x206: {  	s24 =	simm.s32 $0x0;
	[tilespmem:v2+s16+$0x0] =	vst.idx.msk $0xffff, v3;
	s23 =	sadd.s32 $0x1, s31;
	p0 =	slt.s32 s31, $0x0  }
.LBB2_43:
0x207: {  	v2 =	vimm.f32 $0.0e+00  }
.LBB2_49:
0x208: {  	(xrf2) =	vadd.scan.msk.f32 $0xffff, v2;
	_ =	sdelay $0x9  }
0x209: {  	v2, _, _ =	vpop (xrf2)  }
0x20a: {  	(v2sf) =	vpush v2, $0xF;
	_ =	sdelay $0xe  }
0x20b: {  	s26 =	spop (v2sf)  }
0x20c: {  	p1 =	sge.f32 s26, $1.000000000e+00  }
0x20d: {  	s24 =	sadd.s32 $0x1, s24  }
0x20e: {  	s21 =	smov.u32 @p1 s25;
	s25 =	smov.u32 @p1 s22;
	p1 =	seq.s32 s24, $0x10  }
.Ltmp29:
0x20f: {  	_ = 	snop;
	(pc) =	sbr.rel @p1 .LBB2_44-.Ltmp29, $2  }
0x210: {  	_ =	sdelay $0x2  }
0x211: {  	s22 =	smov.u32 s25  }
.LBB2_42:
.Ltmp30:
0x212: {  	(pc) =	sbr.rel @p0 .LBB2_43-.Ltmp30, $3  }
0x213: {  	_ = 	snop  }
0x214: {  	s25 =	sadd.f32 s22, s21;
	_ =	sdelay $0x1  }
0x215: {  	s25 =	smul.f32 $5.000000000e-01, s25  }
0x216: {  	s26 =	simm.s32 $0x10000  }
0x217: {  	p1 =	sne.s32 s23, $0x1;
	v4 =	vld [tilespmem:s26+$0x0]  }
.Ltmp31:
0x218: {  	_ = 	snop;
	(pc) =	sbr.rel @!p1 .LBB2_48-.Ltmp31, $3  }
0x219: {  	_ =	sdelay $0x1  }
0x21a: {  	v3 =	vmov s25  }
0x21b: {  	v2 =	vimm.f32 $0.0e+00;
	s28 =	simm.s32 $0x10010;
	s26 =	sadd.s32 $0xFFFFFFFF, s23;
	v4 =	vsub.f32 v4, v3  }
.LBB2_47:
0x21c: {  	v5 =	vld [tilespmem:s28+$0x0];
	p1 =	sne.s32 s26, $0x1;
	s26 =	sadd.s32 $0xFFFFFFFF, s26  }
.Ltmp32:
0x21d: {  	v4 =	vmax.f32 v4, $0.0e+00;
	(pc) =	sbr.rel @p1 .LBB2_47-.Ltmp32, $2  }
0x21e: {  	v2 =	vadd.f32 v4, v2;
	_ =	sdelay $0x2  }
0x21f: {  	s28 =	sadd.s32 $0x10, s28;
	v4 =	vsub.f32 v5, v3  }
.LBB2_48:
.Ltmp33:
0x220: {  	(pc) =	sbr.rel .LBB2_49-.Ltmp33, $3  }
0x221: {  	_ = 	snop  }
0x222: {  	v3 =	vmax.f32 v4, $0.0e+00  }
0x223: {  	v2 =	vadd.f32 v3, v2;
	_ =	sdelay $0x1  }
.LBB2_44:
.Ltmp34:
0x224: {  	(pc) =	sbr.rel @p0 .LBB2_45-.Ltmp34, $1  }
0x225: {  	_ =	sdelay $0x3  }
0x226: {  	s31 =	simm.s32 $0x10000  }
0x227: {  	p0 =	sne.s32 s23, $0x1;
	v4 =	vld [tilespmem:s31+$0x0]  }
.Ltmp35:
0x228: {  	_ = 	snop;
	(pc) =	sbr.rel @!p0 .LBB2_52-.Ltmp35, $3  }
0x229: {  	_ =	sdelay $0x1  }
0x22a: {  	v3 =	vmov s21  }
0x22b: {  	v2 =	vimm.f32 $0.0e+00;
	s21 =	sadd.s32 $0xFFFFFFFF, s23;
	s22 =	simm.s32 $0x10010;
	v5 =	vimm.f32 $0.0e+00;
	vm0 =	vgt.f32 v4, v3  }
.LBB2_51:
0x22c: {  	p0 =	sne.s32 s21, $0x1;
	s21 =	sadd.s32 $0xFFFFFFFF, s21;
	v6 =	vsel vm0, $0x3F800000, v1;
	v7 =	vnsel vm0, $0x0, v4;
	v4 =	vld [tilespmem:s22+$0x0]  }
.Ltmp36:
0x22d: {  	v2 =	vadd.f32 v6, v2;
	v5 =	vadd.f32 v7, v5;
	(pc) =	sbr.rel @p0 .LBB2_51-.Ltmp36, $2  }
0x22e: {  	_ =	sdelay $0x2  }
0x22f: {  	s22 =	sadd.s32 $0x10, s22;
	vm0 =	vgt.f32 v4, v3  }
.LBB2_52:
.Ltmp37:
0x230: {  	(pc) =	sbr.rel .LBB2_53-.Ltmp37, $3  }
0x231: {  	_ =	sdelay $0x1  }
0x232: {  	v3 =	vsel vm0, $0x3F800000, v1;
	v4 =	vnsel vm0, $0x0, v4  }
0x233: {  	v2 =	vadd.f32 v3, v2;
	v3 =	vadd.f32 v4, v5  }
.LBB2_45:
0x234: {  	v2 =	vimm.f32 $0.0e+00;
	v3 =	vimm.f32 $0.0e+00  }
.LBB2_53:
0x235: {  	_ = 	snop  }
0x236: {  	(xrf2) =	vadd.scan.msk.f32 $0xffff, v3  }
0x237: {  	(xrf2) =	vadd.scan.msk.f32 $0xffff, v2;
	_ =	sdelay $0x8  }
0x238: {  	v2, _, _ =	vpop (xrf2)  }
0x239: {  	v3, _, _ =	vpop (xrf2)  }
0x23a: {  	v3 =	vbroadcast v3, $0xF;
	_ =	sdelay $0x1  }
0x23b: {  	(erf) = vrcp.f32 v3;
	_ =	sdelay $0x5  }
0x23c: {  	s21 =	simm.s32 $0x40;
	v2 =	vadd.f32 $-1.000000000e+00, v2  }
0x23d: {  	v4 =	vld [tilespmem:s21+$0x30]  }
0x23e: {  	v6 =	vld [tilespmem:s21+$0xFFFFFFD0];
	v2 =	vbroadcast v2, $0xF  }
0x23f: {  	v8 =	vld [tilespmem:s21+$0xFFFFFFE0];
	v3 =	vpop (erf)  }
0x240: {  	v7 =	vld [tilespmem:s21+$0xFFFFFFF0];
	v2 =	vmul.f32 v2, v3  }
0x241: {  	v5 =	vld [tilespmem:s21+$0x0]  }
0x242: {  	v3 =	vld [tilespmem:s21+$0x10];
	v10 =	vsub.f32 v4, v2  }
0x243: {  	v4 =	vld [tilespmem:s21+$0x20];
	v9 =	vsub.f32 v6, v2  }
0x244: {  	s22 =	simm.s32 $0x0;
	s23 =	simm.s32 $0xC0;
	v6 =	vld [tilespmem:s21+$0xFFFFFFC0];
	v8 =	vsub.f32 v8, v2;
	v10 =	vmax.f32 v10, $0.0e+00  }
.LBB2_54:
0x245: {  	v11 =	vld [tilespmem:s23+$0x30];
	s22 =	sadd.s32 $0x8, s22;
	v9 =	vmax.f32 v9, $0.0e+00;
	v7 =	vsub.f32 v7, v2;
	[tilespmem:s21+$0x30] =	vst v10  }
0x246: {  	v10 =	vld [tilespmem:s23+$0xFFFFFFD0];
	p0 =	slt.u32 s22, $0x7F8;
	[tilespmem:s21+$0xFFFFFFD0] =	vst v9;
	v8 =	vmax.f32 v8, $0.0e+00;
	v5 =	vsub.f32 v5, v2  }
0x247: {  	v12 =	vld [tilespmem:s23+$0xFFFFFFE0];
	[tilespmem:s21+$0xFFFFFFE0] =	vst v8;
	v8 =	vmax.f32 v7, $0.0e+00;
	v3 =	vsub.f32 v3, v2  }
.Ltmp38:
0x248: {  	v7 =	vld [tilespmem:s23+$0xFFFFFFF0];
	[tilespmem:s21+$0xFFFFFFF0] =	vst v8;
	v8 =	vmax.f32 v5, $0.0e+00;
	v4 =	vsub.f32 v4, v2;
	(pc) =	sbr.rel @p0 .LBB2_54-.Ltmp38, $4  }
0x249: {  	v5 =	vld [tilespmem:s23+$0x0];
	v6 =	vsub.f32 v6, v2;
	[tilespmem:s21+$0x0] =	vst v8;
	v8 =	vmax.f32 v3, $0.0e+00  }
0x24a: {  	v3 =	vld [tilespmem:s23+$0x10];
	v11 =	vsub.f32 v11, v2;
	[tilespmem:s21+$0x10] =	vst v8;
	v8 =	vmax.f32 v4, $0.0e+00  }
0x24b: {  	v9 =	vsub.f32 v10, v2;
	v4 =	vld [tilespmem:s23+$0x20];
	v13 =	vmax.f32 v6, $0.0e+00;
	[tilespmem:s21+$0x20] =	vst v8  }
0x24c: {  	v6 =	vld [tilespmem:s23+$0xFFFFFFC0];
	v8 =	vsub.f32 v12, v2;
	v10 =	vmax.f32 v11, $0.0e+00;
	[tilespmem:s21+$0xFFFFFFC0] =	vst v13;
	s21 =	smov.u32 s23;
	s23 =	sadd.s32 $0x80, s23  }
0x24d: {  	v9 =	vmax.f32 v9, $0.0e+00;
	v7 =	vsub.f32 v7, v2;
	[tilespmem:s21+$0x30] =	vst v10  }
0x24e: {  	[tilespmem:s21+$0xFFFFFFD0] =	vst v9;
	v8 =	vmax.f32 v8, $0.0e+00;
	v5 =	vsub.f32 v5, v2  }
0x24f: {  	[tilespmem:s21+$0xFFFFFFE0] =	vst v8;
	v7 =	vmax.f32 v7, $0.0e+00;
	v3 =	vsub.f32 v3, v2  }
0x250: {  	[tilespmem:s21+$0xFFFFFFF0] =	vst v7;
	v5 =	vmax.f32 v5, $0.0e+00;
	v4 =	vsub.f32 v4, v2  }
0x251: {  	v2 =	vsub.f32 v6, v2;
	[tilespmem:s21+$0x0] =	vst v5;
	v3 =	vmax.f32 v3, $0.0e+00  }
0x252: {  	[tilespmem:s21+$0x10] =	vst v3;
	v3 =	vmax.f32 v4, $0.0e+00  }
0x253: {  	v2 =	vmax.f32 v2, $0.0e+00;
	[tilespmem:s21+$0x20] =	vst v3  }
0x254: {  	[tilespmem:s21+$0xFFFFFFC0] =	vst v2  }
0x255: {  	[hbm4b:s9+s12] =	stream.strided.scatter [tilespmem:s2], [sflag:$0x3], $0x8000, s13, s12, $0x38;
	[tilespmem:$0x18080] =	vst v63  }
0x256: {  	_ =	swait.ge [sflag:s17], $0x8000  }
0x257: {  	[sflag:s17] =	ssyncset.done $0x0  }
0x258: {  	s22 =	simm.s32 $0x8040;
	[sflag:s17] =	ssyncadd.s32 $0xFFFF8000  }
0x259: {  	v4 =	vld [tilespmem:s22+$0xFFFFFFC0]  }
0x25a: {  	v5 =	vld [tilespmem:s22+$0xFFFFFFD0]  }
0x25b: {  	v6 =	vld [tilespmem:s22+$0xFFFFFFE0]  }
0x25c: {  	v2 =	vld [tilespmem:s22+$0xFFFFFFF0]  }
0x25d: {  	v7 =	vimm.f32 $-3.000000010e+38;
	v3 =	vld [tilespmem:s22+$0x0]  }
0x25e: {  	v7 =	vmax.f32 v7, v4;
	v4 =	vld [tilespmem:s22+$0x10]  }
0x25f: {  	v7 =	vmax.f32 v7, v5;
	v5 =	vld [tilespmem:s22+$0x20]  }
0x260: {  	s21 =	simm.s32 $0x0;
	v7 =	vmax.f32 v7, v6;
	v6 =	vld [tilespmem:s22+$0x30];
	s22 =	simm.s32 $0x80C0  }
.LBB2_56:
0x261: {  	v8 =	vld [tilespmem:s22+$0xFFFFFFC0];
	s21 =	sadd.s32 $0x8, s21;
	v2 =	vmax.f32 v7, v2  }
0x262: {  	v7 =	vld [tilespmem:s22+$0xFFFFFFD0];
	p0 =	slt.u32 s21, $0x7F8;
	v2 =	vmax.f32 v2, v3  }
0x263: {  	v9 =	vld [tilespmem:s22+$0xFFFFFFE0];
	v3 =	vmax.f32 v2, v4  }
.Ltmp39:
0x264: {  	v2 =	vld [tilespmem:s22+$0xFFFFFFF0];
	v4 =	vmax.f32 v3, v5;
	(pc) =	sbr.rel @p0 .LBB2_56-.Ltmp39, $4  }
0x265: {  	v3 =	vld [tilespmem:s22+$0x0];
	v4 =	vmax.f32 v4, v6  }
0x266: {  	v5 =	vmax.f32 v4, v8;
	v4 =	vld [tilespmem:s22+$0x10]  }
0x267: {  	v6 =	vmax.f32 v5, v7;
	v5 =	vld [tilespmem:s22+$0x20]  }
0x268: {  	v7 =	vmax.f32 v6, v9;
	v6 =	vld [tilespmem:s22+$0x30];
	s22 =	sadd.s32 $0x80, s22  }
0x269: {  	v2 =	vmax.f32 v7, v2  }
0x26a: {  	v2 =	vmax.f32 v2, v3  }
0x26b: {  	v2 =	vmax.f32 v2, v4  }
0x26c: {  	v2 =	vmax.f32 v2, v5  }
0x26d: {  	v2 =	vmax.f32 v2, v6  }
0x26e: {  	(xrf0) =	vmax.scan.msk.f32 $0xffff, v2;
	_ =	sdelay $0x5  }
0x26f: {  	v2, _, _ =	vpop (xrf0)  }
0x270: {  	(v2sf) =	vpush v2, $0xF;
	_ =	sdelay $0x8  }
0x271: {  	s23 =	simm.s32 $0x8040  }
0x272: {  	v20 =	vld [tilespmem:s23+$0x10]  }
0x273: {  	v14 =	vld [tilespmem:s23+$0xFFFFFFC0]  }
0x274: {  	v15 =	vld [tilespmem:s23+$0xFFFFFFD0]  }
0x275: {  	v16 =	vld [tilespmem:s23+$0xFFFFFFE0]  }
0x276: {  	v17 =	vld [tilespmem:s23+$0xFFFFFFF0]  }
0x277: {  	v19 =	vld [tilespmem:s23+$0x0];
	s22 =	spop (v2sf)  }
0x278: {  	v2 =	vld [tilespmem:s23+$0x20];
	s21 =	sadd.f32 $-1.000000000e+00, s22  }
0x279: {  	v3 =	vimm.s32 $0x0  }
0x27a: {  	(v2sf) =	vpush v3, $0x0;
	v4 =	vmov s21  }
0x27b: {  	vm0 =	vgt.f32 v14, v4;
	vm1 =	vgt.f32 v15, v4;
	vm2 =	vgt.f32 v16, v4  }
0x27c: {  	vm3 =	vgt.f32 v20, v4;
	vm5 =	vgt.f32 v17, v4;
	v5 =	vmpcnt.ones.xlane vm0  }
0x27d: {  	vm8 =	vgt.f32 v19, v4;
	vm10 =	vgt.f32 v2, v4;
	v6 =	vmpcnt.ones.xlane vm1  }
0x27e: {  	v7 =	vmpcnt.ones.xlane vm2;
	v8 =	vmpcnt.ones.xlane vm5;
	v5 =	vadd.s32 v3, v5  }
0x27f: {  	v9 =	vmpcnt.ones.xlane vm3;
	v3 =	vld [tilespmem:s23+$0x30];
	v6 =	vadd.s32 v5, v6;
	(v2sf) =	vpush v5, $0x0  }
0x280: {  	s26 =	simm.s32 $0x80C0;
	v10 =	vmpcnt.ones.xlane vm10;
	v5 =	vadd.s32 v6, v7;
	(v2sf) =	vpush v6, $0x0  }
0x281: {  	v12 =	vld [tilespmem:s26+$0x20];
	v7 =	vadd.s32 v5, v8;
	v8 =	vmpcnt.ones.xlane vm8;
	(v2sf) =	vpush v5, $0x0  }
0x282: {  	vm14 =	vmmov vm0;
	vm6 =	vmmov vm1;
	v6 =	vld [tilespmem:s26+$0xFFFFFFC0];
	(v2sf) =	vpush v7, $0x0  }
0x283: {  	vm13 =	vmmov vm2;
	vm4 =	vmmov vm3;
	v5 =	vld [tilespmem:s26+$0x10];
	v7 =	vadd.s32 v7, v8  }
0x284: {  	vm15 =	vgt.f32 v3, v4;
	v8 =	vld [tilespmem:s26+$0xFFFFFFD0];
	v9 =	vadd.s32 v7, v9;
	(v2sf) =	vpush v7, $0x0  }
0x285: {  	v11 =	vmpcnt.ones.xlane vm15;
	v7 =	vadd.s32 v9, v10;
	(v2sf) =	vpush v9, $0x0;
	v9 =	vld [tilespmem:s26+$0xFFFFFFE0]  }
0x286: {  	vm9 =	vmmov vm5;
	vm12 =	vmmov vm8;
	vm1 =	vmmov vm10;
	v10 =	vld [tilespmem:s26+$0xFFFFFFF0]  }
0x287: {  	vm7 =	vgt.f32 v6, v4;
	v13 =	vadd.s32 v7, v11;
	(v2sf) =	vpush v7, $0x0;
	v11 =	vld [tilespmem:s26+$0x0]  }
0x288: {  	vm5 =	vgt.f32 v12, v4;
	v7 =	vmpcnt.ones.xlane vm7;
	(v2sf) =	vpush v13, $0x0  }
0x289: {  	v62 =	vmpcnt.ones.xlane vm5;
	vm10 =	vgt.f32 v5, v4;
	vm11 =	vgt.f32 v8, v4  }
0x28a: {  	v7 =	vadd.s32 v13, v7;
	v13 =	vld [tilespmem:s26+$0x30];
	v18 =	vmpcnt.ones.xlane vm11;
	vm8 =	vgt.f32 v9, v4  }
0x28b: {  	(v2sf) =	vpush v7, $0x0;
	vm2 =	vgt.f32 v10, v4;
	v21 =	vmpcnt.ones.xlane vm8  }
0x28c: {  	v18 =	vadd.s32 v7, v18;
	v22 =	vmpcnt.ones.xlane vm2;
	vm3 =	vgt.f32 v11, v4  }
0x28d: {  	s24 =	spop (v2sf);
	(v2sf) =	vpush v18, $0x0;
	v61 =	vmpcnt.ones.xlane vm3;
	v7 =	vadd.s32 v18, v21  }
0x28e: {  	[tilespmem:s24+$0x10000] =	vst.msk vm14, v14;
	s23 =	simm.s32 $0x8140;
	v23 =	vmpcnt.ones.xlane vm10;
	v21 =	vadd.s32 v7, v22;
	(v2sf) =	vpush v7, $0x0;
	s28 =	spop (v2sf)  }
0x28f: {  	v14 =	vld [tilespmem:s23+$0xFFFFFFD0];
	(v2sf) =	vpush v21, $0x0;
	[tilespmem:s28+$0x10000] =	vst.msk vm6, v15;
	s29 =	spop (v2sf);
	v15 =	vadd.s32 v21, v61;
	vm6 =	vgt.f32 v13, v4  }
0x290: {  	v18 =	vld [tilespmem:s23+$0xFFFFFFC0];
	[tilespmem:s29+$0x10000] =	vst.msk vm13, v16;
	s30 =	spop (v2sf);
	v16 =	vadd.s32 v15, v23;
	v63 =	vmpcnt.ones.xlane vm6;
	(v2sf) =	vpush v15, $0x0  }
0x291: {  	v7 =	vld [tilespmem:s23+$0x10];
	s31 =	spop (v2sf);
	v21 =	vadd.s32 v16, v62;
	(v2sf) =	vpush v16, $0x0  }
0x292: {  	v15 =	vld [tilespmem:s23+$0xFFFFFFE0];
	[tilespmem:s31+$0x10000] =	vst.msk vm12, v19;
	v19 =	vadd.s32 v21, v63;
	(v2sf) =	vpush v21, $0x0  }
0x293: {  	vm0 =	vmmov vm15;
	vm8 =	vmmov vm8;
	[tilespmem:s30+$0x10000] =	vst.msk vm9, v17;
	v17 =	vld [tilespmem:s23+$0xFFFFFFF0];
	s26 =	spop (v2sf);
	(v2sf) =	vpush v19, $0x0  }
0x294: {  	s25 =	simm.s32 $0x81C0;
	s24 =	simm.s32 $0x10;
	vm9 =	vmmov vm7;
	vm7 =	vmmov vm11;
	v16 =	vld [tilespmem:s23+$0x0];
	[tilespmem:s26+$0x10000] =	vst.msk vm4, v20;
	s26 =	spop (v2sf);
	vm4 =	vmmov vm10  }
.LBB2_58:
0x295: {  	vm10 =	vgt.f32 v18, v4  }
0x296: {  	v20 =	vld [tilespmem:s25+$0x10];
	s24 =	sadd.s32 $0x8, s24;
	[tilespmem:s26+$0x10000] =	vst.msk vm1, v2;
	s26 =	spop (v2sf);
	v2 =	vmovc v12;
	vm15 =	vmmov vm2;
	vm14 =	vmmov vm3;
	vm1 =	vmmov vm5  }
0x297: {  	p0 =	slt.u32 s24, $0x7F8;
	v21 =	vmpcnt.ones.xlane vm10;
	vm13 =	vgt.f32 v14, v4;
	v12 =	vld [tilespmem:s23+$0x20];
	s28 =	spop (v2sf);
	[tilespmem:s26+$0x10000] =	vst.msk vm0, v3;
	v3 =	vmovc v13;
	vm0 =	vmmov vm6  }
0x298: {  	vm12 =	vgt.f32 v7, v4;
	v22 =	vmpcnt.ones.xlane vm13;
	vm11 =	vgt.f32 v15, v4;
	[tilespmem:s28+$0x10000] =	vst.msk vm9, v6;
	v6 =	vmovc v18  }
0x299: {  	v18 =	vadd.s32 v19, v21;
	v19 =	vmpcnt.ones.xlane vm11;
	vm2 =	vgt.f32 v17, v4;
	v13 =	vld [tilespmem:s23+$0x30];
	s23 =	smov.u32 s25  }
0x29a: {  	v21 =	vadd.s32 v18, v22;
	v22 =	vmpcnt.ones.xlane vm2;
	(v2sf) =	vpush v18, $0x0  }
0x29b: {  	vm3 =	vgt.f32 v16, v4;
	v18 =	vadd.s32 v21, v19;
	(v2sf) =	vpush v21, $0x0  }
0x29c: {  	v21 =	vmpcnt.ones.xlane vm3;
	v19 =	vadd.s32 v18, v22;
	(v2sf) =	vpush v18, $0x0;
	s26 =	spop (v2sf)  }
0x29d: {  	v22 =	vmpcnt.ones.xlane vm12;
	vm5 =	vgt.f32 v12, v4;
	(v2sf) =	vpush v19, $0x0;
	[tilespmem:s26+$0x10000] =	vst.msk vm7, v8;
	s26 =	spop (v2sf);
	v8 =	vmovc v14  }
.Ltmp40:
0x29e: {  	v19 =	vadd.s32 v19, v21;
	v21 =	vmpcnt.ones.xlane vm5;
	v18 =	vld [tilespmem:s25+$0xFFFFFFC0];
	vm6 =	vgt.f32 v13, v4;
	[tilespmem:s26+$0x10000] =	vst.msk vm8, v9;
	s26 =	spop (v2sf);
	v9 =	vmovc v15;
	(pc) =	sbr.rel @p0 .LBB2_58-.Ltmp40, $4  }
0x29f: {  	v22 =	vadd.s32 v19, v22;
	v14 =	vld [tilespmem:s25+$0xFFFFFFD0];
	v23 =	vmpcnt.ones.xlane vm6;
	(v2sf) =	vpush v19, $0x0;
	[tilespmem:s26+$0x10000] =	vst.msk vm15, v10;
	s26 =	spop (v2sf);
	v10 =	vmovc v17  }
0x2a0: {  	vm9 =	vmmov vm10;
	v21 =	vadd.s32 v22, v21;
	v15 =	vld [tilespmem:s25+$0xFFFFFFE0];
	(v2sf) =	vpush v22, $0x0;
	[tilespmem:s26+$0x10000] =	vst.msk vm14, v11;
	v11 =	vmovc v16  }
0x2a1: {  	vm7 =	vmmov vm13;
	v17 =	vld [tilespmem:s25+$0xFFFFFFF0];
	v19 =	vadd.s32 v21, v23;
	(v2sf) =	vpush v21, $0x0;
	s26 =	spop (v2sf)  }
0x2a2: {  	vm8 =	vmmov vm11;
	s25 =	sadd.s32 $0x80, s25;
	v16 =	vld [tilespmem:s23+$0x0];
	(v2sf) =	vpush v19, $0x0;
	[tilespmem:s26+$0x10000] =	vst.msk vm4, v5;
	s26 =	spop (v2sf);
	v5 =	vmovc v7;
	v7 =	vmovc v20;
	vm4 =	vmmov vm12  }
0x2a3: {  	vm13 =	vgt.f32 v18, v4  }
0x2a4: {  	v21 =	vimm.s32 $0x0;
	v23 =	vimm.s32 $0x0;
	vm10 =	vgt.f32 v14, v4  }
0x2a5: {  	v21 =	vsel vm10, $0xFFFFFFFF, v21;
	v22 =	vmpcnt.ones.xlane vm10;
	vm10 =	vgt.f32 v7, v4  }
0x2a6: {  	v20 =	vmpcnt.ones.xlane vm13;
	[tilespmem:$0x1FF80] =	vst v21;
	v23 =	vsel vm10, $0xFFFFFFFF, v23  }
0x2a7: {  	vm14 =	vgt.f32 v15, v4;
	v21 =	vld [tilespmem:s23+$0x20];
	[tilespmem:$0x1FF90] =	vst v23  }
0x2a8: {  	v19 =	vadd.s32 v19, v20;
	v56 =	vmpcnt.ones.xlane vm14;
	vm15 =	vgt.f32 v17, v4;
	v23 =	vld [tilespmem:s23+$0x30]  }
0x2a9: {  	v22 =	vadd.s32 v19, v22;
	(v2sf) =	vpush v19, $0x0;
	v57 =	vmpcnt.ones.xlane vm15  }
0x2aa: {  	vm11 =	vgt.f32 v16, v4;
	v20 =	vadd.s32 v22, v56;
	(v2sf) =	vpush v22, $0x0  }
0x2ab: {  	s31 =	spop (v2sf);
	v58 =	vmpcnt.ones.xlane vm11;
	[tilespmem:s26+$0x10000] =	vst.msk vm1, v2;
	v19 =	vadd.s32 v20, v57;
	(v2sf) =	vpush v20, $0x0  }
0x2ac: {  	s24 =	spop (v2sf);
	v59 =	vmpcnt.ones.xlane vm10;
	[tilespmem:s31+$0x10000] =	vst.msk vm0, v3;
	(v2sf) =	vpush v19, $0x0;
	vm12 =	vgt.f32 v21, v4  }
0x2ad: {  	[tilespmem:s24+$0x10000] =	vst.msk vm9, v6;
	s25 =	spop (v2sf);
	v19 =	vadd.s32 v19, v58;
	v60 =	vmpcnt.ones.xlane vm12;
	vm10 =	vgt.f32 v23, v4  }
0x2ae: {  	s28 =	spop (v2sf);
	[tilespmem:s25+$0x10000] =	vst.msk vm7, v8;
	v61 =	vadd.s32 v19, v59;
	(v2sf) =	vpush v19, $0x0;
	v62 =	vmpcnt.ones.xlane vm10  }
0x2af: {  	vm7 =	vmmov vm2;
	s29 =	spop (v2sf);
	[tilespmem:s28+$0x10000] =	vst.msk vm8, v9;
	(v2sf) =	vpush v61, $0x0;
	v20 =	vadd.s32 v61, v60  }
0x2b0: {  	vm8 =	vmmov vm3;
	s30 =	spop (v2sf);
	[tilespmem:s29+$0x10000] =	vst.msk vm7, v10;
	v63 =	vadd.s32 v20, v62;
	(v2sf) =	vpush v20, $0x0  }
0x2b1: {  	[tilespmem:s30+$0x10000] =	vst.msk vm8, v11;
	s26 =	spop (v2sf);
	(v2sf) =	vpush v63, $0x0  }
0x2b2: {  	vm9 =	vmmov vm5;
	s23 =	spop (v2sf);
	[tilespmem:s26+$0x10000] =	vst.msk vm4, v5  }
0x2b3: {  	vm5 =	vmmov vm6;
	s24 =	spop (v2sf);
	[tilespmem:s23+$0x10000] =	vst.msk vm9, v12  }
0x2b4: {  	[tilespmem:s24+$0x10000] =	vst.msk vm5, v13  }
0x2b5: {  	v2 =	vld [tilespmem:$0x1FF80];
	_ =	sdelay $0x2  }
0x2b6: {  	s25 =	spop (v2sf)  }
0x2b7: {  	vm6 =	vmmov vm13;
	s28 =	spop (v2sf)  }
0x2b8: {  	vm8 =	vmmov vm14;
	[tilespmem:s25+$0x10000] =	vst.msk vm6, v18;
	s31 =	spop (v2sf);
	vm7 =	vnez.u8 v2  }
0x2b9: {  	s30 =	spop (v2sf);
	vm1 =	vmmov vm7;
	[tilespmem:s31+$0x10000] =	vst.msk vm8, v15  }
0x2ba: {  	vm9 =	vmmov vm15;
	s26 =	spop (v2sf);
	[tilespmem:s28+$0x10000] =	vst.msk vm1, v14  }
0x2bb: {  	[tilespmem:s30+$0x10000] =	vst.msk vm9, v17;
	s23 =	spop (v2sf)  }
0x2bc: {  	v3 =	vld [tilespmem:$0x1FF90];
	s24 =	spop (v2sf)  }
0x2bd: {  	s25 =	spop (v2sf)  }
0x2be: {  	v2 =	vbroadcast v63, $0x0;
	s28 =	spop (v2sf)  }
0x2bf: {  	s31 =	sand.u32 $0xF, s28;
	s30 =	sshra.s32 s28, $0x1F  }
0x2c0: {  	vm11 =	vmmov vm11;
	v2 =	vadd.s32 v0, v2;
	p1 =	slt.s32 s28, $0x1;
	p0 =	sne.s32 s31, $0x0;
	s31 =	sadd.f32 $-2.000000000e+00, s22  }
.Ltmp41:
0x2c1: {  	vm14 =	vmmov vm12;
	[tilespmem:s26+$0x10000] =	vst.msk vm11, v16;
	vm13 =	vnez.u8 v3;
	s29 =	sshrl.u32 s30, $0x1C;
	p0 =	por !p1, !p0;
	(pc) =	sbr.rel .LBB2_60-.Ltmp41, $4  }
0x2c2: {  	[tilespmem:s24+$0x10000] =	vst.msk vm14, v21;
	vm1 =	vmmov vm13;
	s30 =	sadd.s32 s29, s28;
	s28 =	simm.s32 $0x1;
	p0 =	por !p0, !p0  }
0x2c3: {  	vm15 =	vmmov vm10;
	[tilespmem:s23+$0x10000] =	vst.msk vm1, v7;
	s23 =	sshra.s32 s30, $0x4;
	s28 =	simm.s32 @!p0 $0x0  }
0x2c4: {  	[tilespmem:s25+$0x10000] =	vst.msk vm15, v23;
	v3 =	vmov s31;
	s31 =	ssub.s32 s23, s28  }
0x2c5: {  	s24 =	simm.s32 $0x0;
	[tilespmem:v2+s16+$0x0] =	vst.idx.msk $0xffff, v3;
	s23 =	sadd.s32 $0x1, s31;
	p0 =	slt.s32 s31, $0x0  }
.LBB2_61:
0x2c6: {  	v2 =	vimm.f32 $0.0e+00  }
.LBB2_67:
0x2c7: {  	(xrf2) =	vadd.scan.msk.f32 $0xffff, v2;
	_ =	sdelay $0x9  }
0x2c8: {  	v2, _, _ =	vpop (xrf2)  }
0x2c9: {  	(v2sf) =	vpush v2, $0xF;
	_ =	sdelay $0xe  }
0x2ca: {  	s26 =	spop (v2sf)  }
0x2cb: {  	p1 =	sge.f32 s26, $1.000000000e+00  }
0x2cc: {  	s24 =	sadd.s32 $0x1, s24  }
0x2cd: {  	s21 =	smov.u32 @p1 s25;
	s25 =	smov.u32 @p1 s22;
	p1 =	seq.s32 s24, $0x10  }
.Ltmp42:
0x2ce: {  	_ = 	snop;
	(pc) =	sbr.rel @p1 .LBB2_62-.Ltmp42, $2  }
0x2cf: {  	_ =	sdelay $0x2  }
0x2d0: {  	s22 =	smov.u32 s25  }
.LBB2_60:
.Ltmp43:
0x2d1: {  	(pc) =	sbr.rel @p0 .LBB2_61-.Ltmp43, $3  }
0x2d2: {  	_ = 	snop  }
0x2d3: {  	s25 =	sadd.f32 s22, s21;
	_ =	sdelay $0x1  }
0x2d4: {  	s25 =	smul.f32 $5.000000000e-01, s25  }
0x2d5: {  	s26 =	simm.s32 $0x10000  }
0x2d6: {  	p1 =	sne.s32 s23, $0x1;
	v4 =	vld [tilespmem:s26+$0x0]  }
.Ltmp44:
0x2d7: {  	_ = 	snop;
	(pc) =	sbr.rel @!p1 .LBB2_66-.Ltmp44, $3  }
0x2d8: {  	_ =	sdelay $0x1  }
0x2d9: {  	v3 =	vmov s25  }
0x2da: {  	v2 =	vimm.f32 $0.0e+00;
	s28 =	simm.s32 $0x10010;
	s26 =	sadd.s32 $0xFFFFFFFF, s23;
	v4 =	vsub.f32 v4, v3  }
.LBB2_65:
0x2db: {  	v5 =	vld [tilespmem:s28+$0x0];
	p1 =	sne.s32 s26, $0x1;
	s26 =	sadd.s32 $0xFFFFFFFF, s26  }
.Ltmp45:
0x2dc: {  	v4 =	vmax.f32 v4, $0.0e+00;
	(pc) =	sbr.rel @p1 .LBB2_65-.Ltmp45, $2  }
0x2dd: {  	v2 =	vadd.f32 v4, v2;
	_ =	sdelay $0x2  }
0x2de: {  	s28 =	sadd.s32 $0x10, s28;
	v4 =	vsub.f32 v5, v3  }
.LBB2_66:
.Ltmp46:
0x2df: {  	(pc) =	sbr.rel .LBB2_67-.Ltmp46, $3  }
0x2e0: {  	_ = 	snop  }
0x2e1: {  	v3 =	vmax.f32 v4, $0.0e+00  }
0x2e2: {  	v2 =	vadd.f32 v3, v2;
	_ =	sdelay $0x1  }
.LBB2_62:
.Ltmp47:
0x2e3: {  	(pc) =	sbr.rel @p0 .LBB2_63-.Ltmp47, $1  }
0x2e4: {  	_ =	sdelay $0x3  }
0x2e5: {  	s31 =	simm.s32 $0x10000  }
0x2e6: {  	p0 =	sne.s32 s23, $0x1;
	v4 =	vld [tilespmem:s31+$0x0]  }
.Ltmp48:
0x2e7: {  	_ = 	snop;
	(pc) =	sbr.rel @!p0 .LBB2_70-.Ltmp48, $3  }
0x2e8: {  	_ =	sdelay $0x1  }
0x2e9: {  	v3 =	vmov s21  }
0x2ea: {  	v2 =	vimm.f32 $0.0e+00;
	s21 =	sadd.s32 $0xFFFFFFFF, s23;
	s22 =	simm.s32 $0x10010;
	v5 =	vimm.f32 $0.0e+00;
	vm0 =	vgt.f32 v4, v3  }
.LBB2_69:
0x2eb: {  	p0 =	sne.s32 s21, $0x1;
	s21 =	sadd.s32 $0xFFFFFFFF, s21;
	v6 =	vsel vm0, $0x3F800000, v1;
	v7 =	vnsel vm0, $0x0, v4;
	v4 =	vld [tilespmem:s22+$0x0]  }
.Ltmp49:
0x2ec: {  	v2 =	vadd.f32 v6, v2;
	v5 =	vadd.f32 v7, v5;
	(pc) =	sbr.rel @p0 .LBB2_69-.Ltmp49, $2  }
0x2ed: {  	_ =	sdelay $0x2  }
0x2ee: {  	s22 =	sadd.s32 $0x10, s22;
	vm0 =	vgt.f32 v4, v3  }
.LBB2_70:
.Ltmp50:
0x2ef: {  	(pc) =	sbr.rel .LBB2_71-.Ltmp50, $3  }
0x2f0: {  	_ =	sdelay $0x1  }
0x2f1: {  	v3 =	vsel vm0, $0x3F800000, v1;
	v4 =	vnsel vm0, $0x0, v4  }
0x2f2: {  	v2 =	vadd.f32 v3, v2;
	v3 =	vadd.f32 v4, v5  }
.LBB2_63:
0x2f3: {  	v2 =	vimm.f32 $0.0e+00;
	v3 =	vimm.f32 $0.0e+00  }
.LBB2_71:
0x2f4: {  	_ = 	snop  }
0x2f5: {  	(xrf2) =	vadd.scan.msk.f32 $0xffff, v3  }
0x2f6: {  	(xrf2) =	vadd.scan.msk.f32 $0xffff, v2;
	_ =	sdelay $0x8  }
0x2f7: {  	v2, _, _ =	vpop (xrf2)  }
0x2f8: {  	v3, _, _ =	vpop (xrf2)  }
0x2f9: {  	v3 =	vbroadcast v3, $0xF;
	_ =	sdelay $0x1  }
0x2fa: {  	(erf) = vrcp.f32 v3;
	_ =	sdelay $0x5  }
0x2fb: {  	s21 =	simm.s32 $0x8040;
	v2 =	vadd.f32 $-1.000000000e+00, v2  }
0x2fc: {  	v4 =	vld [tilespmem:s21+$0x30]  }
0x2fd: {  	v6 =	vld [tilespmem:s21+$0xFFFFFFD0];
	v2 =	vbroadcast v2, $0xF  }
0x2fe: {  	v8 =	vld [tilespmem:s21+$0xFFFFFFE0];
	v3 =	vpop (erf)  }
0x2ff: {  	v7 =	vld [tilespmem:s21+$0xFFFFFFF0];
	v2 =	vmul.f32 v2, v3  }
0x300: {  	v5 =	vld [tilespmem:s21+$0x0]  }
0x301: {  	v3 =	vld [tilespmem:s21+$0x10];
	v10 =	vsub.f32 v4, v2  }
0x302: {  	v4 =	vld [tilespmem:s21+$0x20];
	v9 =	vsub.f32 v6, v2  }
0x303: {  	s22 =	simm.s32 $0x0;
	s23 =	simm.s32 $0x80C0;
	v6 =	vld [tilespmem:s21+$0xFFFFFFC0];
	v8 =	vsub.f32 v8, v2;
	v10 =	vmax.f32 v10, $0.0e+00  }
.LBB2_72:
0x304: {  	v11 =	vld [tilespmem:s23+$0x30];
	s22 =	sadd.s32 $0x8, s22;
	v9 =	vmax.f32 v9, $0.0e+00;
	v7 =	vsub.f32 v7, v2;
	[tilespmem:s21+$0x30] =	vst v10  }
0x305: {  	v10 =	vld [tilespmem:s23+$0xFFFFFFD0];
	p0 =	slt.u32 s22, $0x7F8;
	[tilespmem:s21+$0xFFFFFFD0] =	vst v9;
	v8 =	vmax.f32 v8, $0.0e+00;
	v5 =	vsub.f32 v5, v2  }
0x306: {  	v12 =	vld [tilespmem:s23+$0xFFFFFFE0];
	[tilespmem:s21+$0xFFFFFFE0] =	vst v8;
	v8 =	vmax.f32 v7, $0.0e+00;
	v3 =	vsub.f32 v3, v2  }
.Ltmp51:
0x307: {  	v7 =	vld [tilespmem:s23+$0xFFFFFFF0];
	[tilespmem:s21+$0xFFFFFFF0] =	vst v8;
	v8 =	vmax.f32 v5, $0.0e+00;
	v4 =	vsub.f32 v4, v2;
	(pc) =	sbr.rel @p0 .LBB2_72-.Ltmp51, $4  }
0x308: {  	v5 =	vld [tilespmem:s23+$0x0];
	v6 =	vsub.f32 v6, v2;
	[tilespmem:s21+$0x0] =	vst v8;
	v8 =	vmax.f32 v3, $0.0e+00  }
0x309: {  	v3 =	vld [tilespmem:s23+$0x10];
	v11 =	vsub.f32 v11, v2;
	[tilespmem:s21+$0x10] =	vst v8;
	v8 =	vmax.f32 v4, $0.0e+00  }
0x30a: {  	v9 =	vsub.f32 v10, v2;
	v4 =	vld [tilespmem:s23+$0x20];
	v13 =	vmax.f32 v6, $0.0e+00;
	[tilespmem:s21+$0x20] =	vst v8  }
0x30b: {  	v6 =	vld [tilespmem:s23+$0xFFFFFFC0];
	v8 =	vsub.f32 v12, v2;
	v10 =	vmax.f32 v11, $0.0e+00;
	[tilespmem:s21+$0xFFFFFFC0] =	vst v13;
	s21 =	smov.u32 s23;
	s23 =	sadd.s32 $0x80, s23  }
0x30c: {  	v9 =	vmax.f32 v9, $0.0e+00;
	v7 =	vsub.f32 v7, v2;
	[tilespmem:s21+$0x30] =	vst v10  }
0x30d: {  	[tilespmem:s21+$0xFFFFFFD0] =	vst v9;
	v8 =	vmax.f32 v8, $0.0e+00;
	v5 =	vsub.f32 v5, v2  }
0x30e: {  	[tilespmem:s21+$0xFFFFFFE0] =	vst v8;
	v7 =	vmax.f32 v7, $0.0e+00;
	v3 =	vsub.f32 v3, v2  }
0x30f: {  	[tilespmem:s21+$0xFFFFFFF0] =	vst v7;
	v5 =	vmax.f32 v5, $0.0e+00;
	v4 =	vsub.f32 v4, v2  }
0x310: {  	v2 =	vsub.f32 v6, v2;
	[tilespmem:s21+$0x0] =	vst v5;
	v3 =	vmax.f32 v3, $0.0e+00  }
0x311: {  	[tilespmem:s21+$0x10] =	vst v3;
	v3 =	vmax.f32 v4, $0.0e+00  }
0x312: {  	v2 =	vmax.f32 v2, $0.0e+00;
	[tilespmem:s21+$0x20] =	vst v3  }
0x313: {  	s20 =	sadd.s32 $0x1, s20;
	[tilespmem:s21+$0xFFFFFFC0] =	vst v2  }
0x314: {  	[hbm4b:s10+s12] =	stream.strided.scatter [tilespmem:s14], [sflag:$0x4], $0x8000, s13, s12, $0x38;
	[tilespmem:$0x18080] =	vst v63  }
0x315: {  	p0 =	sne.s32 s20, s11;
	_ =	swait.ge [sflag:s18], $0x8000  }
.Ltmp52:
0x316: {  	[sflag:s18] =	ssyncset.done $0x0;
	(pc) =	sbr.rel @p0 .LBB2_1-.Ltmp52, $4  }
0x317: {  	[sflag:s18] =	ssyncadd.s32 $0xFFFF8000  }
0x318: {  	_ =	swait.ge [sflag:s19], $0x8000  }
0x319: {  	[sflag:s19] =	ssyncset.done $0x0  }
0x31a: {  	[sflag:s19] =	ssyncadd.s32 $0xFFFF8000  }
0x31b: {  	_ =	sfence.sel $0x180000  }
0x31c: {  	[bflag:$0x0] =	sbarrier.arrive $0xFFFF  }
0x31d: {  	p0 =	sne.s32 s1, $0x0;
	_ =	strace $0x90000047  }
0x31e: {  	s0 =	sadd.s32 @!p0 $0x100000, s0;
	[bflag:$0x2] =	sbarrier.arrive $0xFFFF  }
0x31f: {  	[sflag:s0] =	ssyncadd.tile.s32 @!p0 $0x1;
	_ =	shalt  }
.Lfunc_end2:
_tile_overlayer_lowered:
.L_overlay_start_2:
0x320: {  	(tag) =	ssettag $0x2  }
0x321: {  	s0 =	rddreg [dreg:$0x0];
	s2 =	stileid.u32  }
0x322: {  	s1 =	rddreg [dreg:$0x1];
	p0 =	sne.s32 s2, $0x0  }
0x323: {  	s3 =	rddreg [dreg:$0x2];
	[bflag:$0x3] =	sbarrier.arrive $0xFFFF;
	s2 =	simm.s32 @!p0 $0x1C05  }
0x324: {  	[timem:s3], [sflag:s2] =	dma.local @!p0 [hbm:s0], s1  }
0x325: {  	s0 =	simm.s32 @!p0 $0x5  }
0x326: {  	_ =	swait.ge @!p0 [sflag:s0], s1  }
0x327: {  	s1 =	ssub.s32 @!p0 $0x0, s1;
	[sflag:s0] =	ssyncset.done @!p0 $0x0  }
0x328: {  	[sflag:s0] =	ssyncadd.s32 @!p0 s1  }
0x329: {  	[bflag:$0x3] =	sbarrier.arrive $0xFFFF  }
0x32a: {  	_ =	shalt  }

</sc_bundles>
